<compile_context>
chip_gen: v7x
topology: tpu7x:2x2x1
jax: 0.10.2.dev20260603
libtpu: 0.0.44.dev20260713+nightly
codegen_flags: <defaults>
</compile_context>

<pallas_src>
import functools

import jax
import jax.numpy as jnp
from jax import lax
from jax.experimental import pallas as pl
from jax.experimental.pallas import tpu as pltpu
from jax.experimental.pallas import tpu_sc as plsc

B = 32
N_VERTS = 100000
N_FACES = 200000
NC, NS, L = 2, 16, 16
CHUNK = 128
NCHUNK = 98
FACES_PAD = NS * NCHUNK * CHUNK
D = B * 3
NCOL = D // L


def _sc_body(vt_hbm, idx_hbm, out_hbm, idx_v, buf_v, out_stage, sem0, sem1):
    cid = lax.axis_index("c")
    sid = lax.axis_index("s")
    wid = sid * NC + cid
    sems = (sem0, sem1)

    @pl.when(cid == 0)
    def _work():
        pltpu.sync_copy(idx_hbm.at[sid], idx_v)

        def fire(k, slot):
            for q in range(3):
                pltpu.async_copy(
                    vt_hbm.at[idx_v.at[pl.ds(k * 3 * CHUNK + q * CHUNK,
                                             CHUNK)]],
                    buf_v.at[slot, pl.ds(q * CHUNK, CHUNK)], sems[slot])

        def drain(k, slot):
            for q in range(3):
                pltpu.make_async_copy(
                    vt_hbm.at[idx_v.at[pl.ds(k * 3 * CHUNK + q * CHUNK,
                                             CHUNK)]],
                    buf_v.at[slot, pl.ds(q * CHUNK, CHUNK)],
                    sems[slot]).wait()

        def compute(slot, accs):
            def unpack2(u):
                ev = lax.bitcast_convert_type(u << 16, jnp.float32)
                od = lax.bitcast_convert_type(u, jnp.float32)
                return ev, od

            def face_body(j, accs):
                accs = list(accs)
                r = 3 * j
                for c in range(NCOL // 2):
                    a = buf_v[slot, r, pl.ds(L * c, L)]
                    b = buf_v[slot, r + 1, pl.ds(L * c, L)]
                    d = buf_v[slot, r + 2, pl.ds(L * c, L)]
                    for h, (ae, be, de) in enumerate(
                            zip(unpack2(a), unpack2(b), unpack2(d))):
                        hi = jnp.maximum(ae, jnp.maximum(be, de))
                        lo = jnp.minimum(ae, jnp.minimum(be, de))
                        cc = 2 * c + h
                        accs[cc] = accs[cc] + (hi - lo)
                return tuple(accs)
            return lax.fori_loop(0, CHUNK, face_body, accs)

        fire(0, 0)
        zero = jnp.zeros((L,), jnp.float32)
        accs = (zero,) * NCOL

        def chunk_step(k, slot, accs):
            @pl.when(k + 1 < NCHUNK)
            def _():
                fire(k + 1, 1 - slot)
            drain(k, slot)
            return compute(slot, accs)

        def pair_body(i, accs):
            accs = chunk_step(2 * i, 0, accs)
            accs = chunk_step(2 * i + 1, 1, accs)
            return accs

        accs = lax.fori_loop(0, NCHUNK // 2, pair_body, accs)

        total = accs[0]
        for c in range(1, NCOL):
            total = total + accs[c]
        out_stage[...] = total
        pltpu.sync_copy(out_stage, out_hbm.at[wid])

    @pl.when(cid != 0)
    def _idle():
        out_stage[...] = jnp.zeros((L,), jnp.float32)
        pltpu.sync_copy(out_stage, out_hbm.at[wid])


@functools.partial(
    pl.kernel,
    out_type=jax.ShapeDtypeStruct((NC * NS, L), jnp.float32),
    mesh=plsc.VectorSubcoreMesh(core_axis_name="c", subcore_axis_name="s"),
    compiler_params=pltpu.CompilerParams(use_tc_tiling_on_sc=False),
    scratch_types=[
        pltpu.VMEM((NCHUNK * 3 * CHUNK,), jnp.int32),
        pltpu.VMEM((2, 3 * CHUNK, D // 2), jnp.int32),
        pltpu.VMEM((L,), jnp.float32),
        pltpu.SemaphoreType.DMA,
        pltpu.SemaphoreType.DMA,
    ],
)
def _edge_loss_sc(vt_hbm, idx_hbm, out_hbm, idx_v, buf_v, out_stage,
                  sem0, sem1):
    _sc_body(vt_hbm, idx_hbm, out_hbm, idx_v, buf_v, out_stage, sem0, sem1)


def kernel(v, faces):
    ui = lax.bitcast_convert_type(v, jnp.uint32)
    rnd = (ui + jnp.uint32(0x7FFF) + ((ui >> 16) & jnp.uint32(1))) >> 16
    packed = rnd[: B // 2] | (rnd[B // 2:] << 16)
    vt = lax.bitcast_convert_type(
        packed.reshape(B // 2, 3 * N_VERTS).T.reshape(N_VERTS, D // 2),
        jnp.int32)
    fi = jnp.pad(faces.astype(jnp.int32).reshape(-1),
                 (0, 3 * (FACES_PAD - N_FACES)))
    fi = fi.reshape(NS, NCHUNK * 3 * CHUNK)
    partials = _edge_loss_sc(vt, fi)
    return 2.0 * jnp.sum(partials) / jnp.float32(B * N_FACES * 3)

# --- scband reference (transcript-rebuilt; emitter-appended) ---
"""Pipeline reference for scband-edgeloss-25434796327110 (READ-ONLY COPY).

The authoritative reference and input builder live on the scoring server;
editing this copy changes nothing except your own understanding.
"""

import jax, jax.numpy as jnp
import numpy as np

B, N_VERTS, N_FACES = 32, 100000, 200000

def setup_inputs(seed: int = 0) -> dict:
    key = jax.random.key(seed)
    k1, k2 = jax.random.split(key)
    v = jax.random.normal(k1, (B, N_VERTS, 3), dtype=jnp.float32)
    faces = jax.random.randint(k2, (N_FACES, 3), 0, N_VERTS, dtype=jnp.int64)
    return {"v": v, "faces": faces}

def reference(v, faces):
    batch_size = v.shape[0]
    n_faces = faces.shape[0]
    f = faces.reshape(-1)
    # index_select along dim=1 -> gather vertex coords per face corner
    f_v = jnp.take(v, f, axis=1)
    f_v = f_v.reshape(batch_size, n_faces, 3, 3)
    ab = f_v[:, :, 1, :] - f_v[:, :, 0, :]
    ac = f_v[:, :, 2, :] - f_v[:, :, 0, :]
    bc = f_v[:, :, 1, :] - f_v[:, :, 2, :]
    return jnp.mean(jnp.abs(ab)) + jnp.mean(jnp.abs(ac)) + jnp.mean(jnp.abs(bc))

if __name__ == "__main__":
    import jax
    _d = setup_inputs()
    print(jax.jit(kernel)(*tuple(_d.values())))

</pallas_src>

<mosaic_0001>
#map = affine_map<(d0, d1) -> (0, 0)>
module attributes {stable_mosaic.version = 14 : i64} {
  func.func @_edge_loss_sc(%arg0: i32, %arg1: i32, %arg2: memref<100000x48xi32, #tpu.memory_space<hbm>>, %arg3: memref<16x37632xi32, #tpu.memory_space<hbm>>, %arg4: memref<32x16xf32, #tpu.memory_space<hbm>>, %arg5: memref<37632xi32, #tpu.memory_space<vmem>>, %arg6: memref<2x384x48xi32, #tpu.memory_space<vmem>>, %arg7: memref<16xf32, #tpu.memory_space<vmem>>, %arg8: memref<!tpu.dma_semaphore, #tpu.memory_space<semaphore_mem>>, %arg9: memref<!tpu.dma_semaphore, #tpu.memory_space<semaphore_mem>>) attributes {dimension_semantics = [#tpu.dimension_semantics<core_parallel>, #tpu.dimension_semantics<subcore_parallel>], iteration_bounds = array<i64: 2, 16>, scalar_prefetch = 0 : i64, scratch_operands = 5 : i64, tpu.core_type = #tpu.core_type<sc_vector_subcore>, window_params = [{transform_indices = #map}, {transform_indices = #map}, {transform_indices = #map}]} {
    %mul3A = arith.constant 2 : i32
    %mul3A_0 = arith.muli %arg1, %mul3A : i32
    %add3A = arith.addi %mul3A_0, %arg0 : i32
    %eq3A = arith.constant 0 : i32
    %eq3A_1 = arith.cmpi eq, %arg0, %eq3A : i32
    %convert_element_type3A = arith.extui %eq3A_1 : i1 to i32
    %cond3A = arith.constant 0 : i32
    %cond3A_2 = arith.cmpi ne, %convert_element_type3A, %cond3A : i32
    scf.if %cond3A_2 {
      "tpu.region"() ({
        %run_scoped3A = tpu.sem_alloc : memref<!tpu.dma_semaphore, #tpu.memory_space<semaphore_mem>>
        %dma_start3A_50 = arith.constant 0 : i32
        %dma_start3A_51 = tpu.memref_slice %arg3[%arg1, %dma_start3A_50] : memref<16x37632xi32, #tpu.memory_space<hbm>> -> memref<1x37632xi32, #tpu.memory_space<hbm>>
        %dma_start3A_52 = tpu.memref_squeeze %dma_start3A_51 : memref<1x37632xi32, #tpu.memory_space<hbm>> -> memref<37632xi32, #tpu.memory_space<hbm>>
        %dma_start3A_53 = arith.constant 0 : i32
        %dma_start3A_54 = tpu.memref_slice %arg3[%arg1, %dma_start3A_53] : memref<16x37632xi32, #tpu.memory_space<hbm>> -> memref<1x37632xi32, #tpu.memory_space<hbm>>
        %dma_start3A_55 = tpu.memref_squeeze %dma_start3A_54 : memref<1x37632xi32, #tpu.memory_space<hbm>> -> memref<37632xi32, #tpu.memory_space<hbm>>
        tpu.enqueue_dma source(%dma_start3A_55 : memref<37632xi32, #tpu.memory_space<hbm>>) target(%arg5 : memref<37632xi32, #tpu.memory_space<vmem>>) target_semaphore(%run_scoped3A : memref<!tpu.dma_semaphore, #tpu.memory_space<semaphore_mem>>)
        %dma_wait3A = arith.constant 0 : i32
        %dma_wait3A_56 = tpu.memref_slice %arg3[%arg1, %dma_wait3A] : memref<16x37632xi32, #tpu.memory_space<hbm>> -> memref<1x37632xi32, #tpu.memory_space<hbm>>
        %dma_wait3A_57 = tpu.memref_squeeze %dma_wait3A_56 : memref<1x37632xi32, #tpu.memory_space<hbm>> -> memref<37632xi32, #tpu.memory_space<hbm>>
        %dma_wait3A_58 = arith.constant 0 : i32
        %dma_wait3A_59 = tpu.memref_slice %arg3[%arg1, %dma_wait3A_58] : memref<16x37632xi32, #tpu.memory_space<hbm>> -> memref<1x37632xi32, #tpu.memory_space<hbm>>
        %dma_wait3A_60 = tpu.memref_squeeze %dma_wait3A_59 : memref<1x37632xi32, #tpu.memory_space<hbm>> -> memref<37632xi32, #tpu.memory_space<hbm>>
        tpu.wait_dma2 semaphore(%run_scoped3A : memref<!tpu.dma_semaphore, #tpu.memory_space<semaphore_mem>>) src(%dma_wait3A_60 : memref<37632xi32, #tpu.memory_space<hbm>>) dst(%arg5 : memref<37632xi32, #tpu.memory_space<vmem>>)
        tpu.yield
      }) : () -> ()
      %dma_start3A = arith.constant 0 : i32
      %dma_start3A_7 = arith.constant 0 : i32
      %dma_start3A_8 = arith.constant 0 : i32
      %dma_start3A_9 = tpu.memref_slice %arg6[%dma_start3A, %dma_start3A_7, %dma_start3A_8] : memref<2x384x48xi32, #tpu.memory_space<vmem>> -> memref<1x128x48xi32, #tpu.memory_space<vmem>>
      %dma_start3A_10 = tpu.memref_squeeze %dma_start3A_9 : memref<1x128x48xi32, #tpu.memory_space<vmem>> -> memref<128x48xi32, #tpu.memory_space<vmem>>
      %dma_start3A_11 = arith.constant 0 : i32
      %dma_start3A_12 = tpu.memref_slice %arg5[%dma_start3A_11] : memref<37632xi32, #tpu.memory_space<vmem>> -> memref<128xi32, #tpu.memory_space<vmem>>
      %dma_start3A_13 = arith.constant 0 : i32
      %dma_start3A_14 = arith.constant 0 : i32
      %dma_start3A_15 = tpu.memref_slice %arg2[%dma_start3A_13, %dma_start3A_14] : memref<100000x48xi32, #tpu.memory_space<hbm>> -> memref<100000x48xi32, #tpu.memory_space<hbm>>
      tpu.enqueue_indirect_dma source(%dma_start3A_15 : memref<100000x48xi32, #tpu.memory_space<hbm>>) target(%dma_start3A_10 : memref<128x48xi32, #tpu.memory_space<vmem>>) offsets(%dma_start3A_12 : memref<128xi32, #tpu.memory_space<vmem>>) semaphore(%arg8 : memref<!tpu.dma_semaphore, #tpu.memory_space<semaphore_mem>>)
      %dma_start3A_16 = arith.constant 0 : i32
      %dma_start3A_17 = arith.constant 128 : i32
      %dma_start3A_18 = arith.constant 0 : i32
      %dma_start3A_19 = tpu.memref_slice %arg6[%dma_start3A_16, %dma_start3A_17, %dma_start3A_18] : memref<2x384x48xi32, #tpu.memory_space<vmem>> -> memref<1x128x48xi32, #tpu.memory_space<vmem>>
      %dma_start3A_20 = tpu.memref_squeeze %dma_start3A_19 : memref<1x128x48xi32, #tpu.memory_space<vmem>> -> memref<128x48xi32, #tpu.memory_space<vmem>>
      %dma_start3A_21 = arith.constant 128 : i32
      %dma_start3A_22 = tpu.memref_slice %arg5[%dma_start3A_21] : memref<37632xi32, #tpu.memory_space<vmem>> -> memref<128xi32, #tpu.memory_space<vmem>>
      %dma_start3A_23 = arith.constant 0 : i32
      %dma_start3A_24 = arith.constant 0 : i32
      %dma_start3A_25 = tpu.memref_slice %arg2[%dma_start3A_23, %dma_start3A_24] : memref<100000x48xi32, #tpu.memory_space<hbm>> -> memref<100000x48xi32, #tpu.memory_space<hbm>>
      tpu.enqueue_indirect_dma source(%dma_start3A_25 : memref<100000x48xi32, #tpu.memory_space<hbm>>) target(%dma_start3A_20 : memref<128x48xi32, #tpu.memory_space<vmem>>) offsets(%dma_start3A_22 : memref<128xi32, #tpu.memory_space<vmem>>) semaphore(%arg8 : memref<!tpu.dma_semaphore, #tpu.memory_space<semaphore_mem>>)
      %dma_start3A_26 = arith.constant 0 : i32
      %dma_start3A_27 = arith.constant 256 : i32
      %dma_start3A_28 = arith.constant 0 : i32
      %dma_start3A_29 = tpu.memref_slice %arg6[%dma_start3A_26, %dma_start3A_27, %dma_start3A_28] : memref<2x384x48xi32, #tpu.memory_space<vmem>> -> memref<1x128x48xi32, #tpu.memory_space<vmem>>
      %dma_start3A_30 = tpu.memref_squeeze %dma_start3A_29 : memref<1x128x48xi32, #tpu.memory_space<vmem>> -> memref<128x48xi32, #tpu.memory_space<vmem>>
      %dma_start3A_31 = arith.constant 256 : i32
      %dma_start3A_32 = tpu.memref_slice %arg5[%dma_start3A_31] : memref<37632xi32, #tpu.memory_space<vmem>> -> memref<128xi32, #tpu.memory_space<vmem>>
      %dma_start3A_33 = arith.constant 0 : i32
      %dma_start3A_34 = arith.constant 0 : i32
      %dma_start3A_35 = tpu.memref_slice %arg2[%dma_start3A_33, %dma_start3A_34] : memref<100000x48xi32, #tpu.memory_space<hbm>> -> memref<100000x48xi32, #tpu.memory_space<hbm>>
      tpu.enqueue_indirect_dma source(%dma_start3A_35 : memref<100000x48xi32, #tpu.memory_space<hbm>>) target(%dma_start3A_30 : memref<128x48xi32, #tpu.memory_space<vmem>>) offsets(%dma_start3A_32 : memref<128xi32, #tpu.memory_space<vmem>>) semaphore(%arg8 : memref<!tpu.dma_semaphore, #tpu.memory_space<semaphore_mem>>)
      %broadcast_in_dim3A = arith.constant 0.000000e+00 : f32
      %broadcast_in_dim3A_36 = vector.broadcast %broadcast_in_dim3A : f32 to vector<16xf32>
      %scan3A = arith.constant 0 : i32
      %scan3A_37 = arith.constant 49 : i32
      %scan3A_38 = arith.addi %scan3A, %scan3A_37 : i32
      %scan3A_39 = arith.constant 1 : i32
      %scan3A_40:6 = scf.for %scan3A_50 = %scan3A to %scan3A_38 step %scan3A_39 iter_args(%scan3A_51 = %broadcast_in_dim3A_36, %scan3A_52 = %broadcast_in_dim3A_36, %scan3A_53 = %broadcast_in_dim3A_36, %scan3A_54 = %broadcast_in_dim3A_36, %scan3A_55 = %broadcast_in_dim3A_36, %scan3A_56 = %broadcast_in_dim3A_36) -> (vector<16xf32>, vector<16xf32>, vector<16xf32>, vector<16xf32>, vector<16xf32>, vector<16xf32>)  : i32 {
        %mul3A_57 = arith.constant 2 : i32
        %mul3A_58 = arith.muli %mul3A_57, %scan3A_50 : i32
        %add3A_59 = arith.constant 1 : i32
        %add3A_60 = arith.addi %mul3A_58, %add3A_59 : i32
        %lt3A = arith.constant 98 : i32
        %lt3A_61 = arith.cmpi slt, %add3A_60, %lt3A : i32
        %convert_element_type3A_62 = arith.extui %lt3A_61 : i1 to i32
        %cond3A_63 = arith.constant 0 : i32
        %cond3A_64 = arith.cmpi ne, %convert_element_type3A_62, %cond3A_63 : i32
        scf.if %cond3A_64 {
          %add3A_177 = arith.constant 1 : i32
          %add3A_178 = arith.addi %mul3A_58, %add3A_177 : i32
          %mul3A_179 = arith.constant 3 : i32
          %mul3A_180 = arith.muli %add3A_178, %mul3A_179 : i32
          %mul3A_181 = arith.constant 128 : i32
          %mul3A_182 = arith.muli %mul3A_180, %mul3A_181 : i32
          %add3A_183 = arith.constant 0 : i32
          %add3A_184 = arith.addi %mul3A_182, %add3A_183 : i32
          %dma_start3A_185 = arith.constant 1 : i32
          %dma_start3A_186 = arith.constant 0 : i32
          %dma_start3A_187 = arith.constant 0 : i32
          %dma_start3A_188 = tpu.memref_slice %arg6[%dma_start3A_185, %dma_start3A_186, %dma_start3A_187] : memref<2x384x48xi32, #tpu.memory_space<vmem>> -> memref<1x128x48xi32, #tpu.memory_space<vmem>>
          %dma_start3A_189 = tpu.memref_squeeze %dma_start3A_188 : memref<1x128x48xi32, #tpu.memory_space<vmem>> -> memref<128x48xi32, #tpu.memory_space<vmem>>
          %dma_start3A_190 = tpu.memref_slice %arg5[%add3A_184] : memref<37632xi32, #tpu.memory_space<vmem>> -> memref<128xi32, #tpu.memory_space<vmem>>
          %dma_start3A_191 = arith.constant 0 : i32
          %dma_start3A_192 = arith.constant 0 : i32
          %dma_start3A_193 = tpu.memref_slice %arg2[%dma_start3A_191, %dma_start3A_192] : memref<100000x48xi32, #tpu.memory_space<hbm>> -> memref<100000x48xi32, #tpu.memory_space<hbm>>
          tpu.enqueue_indirect_dma source(%dma_start3A_193 : memref<100000x48xi32, #tpu.memory_space<hbm>>) target(%dma_start3A_189 : memref<128x48xi32, #tpu.memory_space<vmem>>) offsets(%dma_start3A_190 : memref<128xi32, #tpu.memory_space<vmem>>) semaphore(%arg9 : memref<!tpu.dma_semaphore, #tpu.memory_space<semaphore_mem>>)
          %mul3A_194 = arith.constant 3 : i32
          %mul3A_195 = arith.muli %add3A_178, %mul3A_194 : i32
          %mul3A_196 = arith.constant 128 : i32
          %mul3A_197 = arith.muli %mul3A_195, %mul3A_196 : i32
          %add3A_198 = arith.constant 128 : i32
          %add3A_199 = arith.addi %mul3A_197, %add3A_198 : i32
          %dma_start3A_200 = arith.constant 1 : i32
          %dma_start3A_201 = arith.constant 128 : i32
          %dma_start3A_202 = arith.constant 0 : i32
          %dma_start3A_203 = tpu.memref_slice %arg6[%dma_start3A_200, %dma_start3A_201, %dma_start3A_202] : memref<2x384x48xi32, #tpu.memory_space<vmem>> -> memref<1x128x48xi32, #tpu.memory_space<vmem>>
          %dma_start3A_204 = tpu.memref_squeeze %dma_start3A_203 : memref<1x128x48xi32, #tpu.memory_space<vmem>> -> memref<128x48xi32, #tpu.memory_space<vmem>>
          %dma_start3A_205 = tpu.memref_slice %arg5[%add3A_199] : memref<37632xi32, #tpu.memory_space<vmem>> -> memref<128xi32, #tpu.memory_space<vmem>>
          %dma_start3A_206 = arith.constant 0 : i32
          %dma_start3A_207 = arith.constant 0 : i32
          %dma_start3A_208 = tpu.memref_slice %arg2[%dma_start3A_206, %dma_start3A_207] : memref<100000x48xi32, #tpu.memory_space<hbm>> -> memref<100000x48xi32, #tpu.memory_space<hbm>>
          tpu.enqueue_indirect_dma source(%dma_start3A_208 : memref<100000x48xi32, #tpu.memory_space<hbm>>) target(%dma_start3A_204 : memref<128x48xi32, #tpu.memory_space<vmem>>) offsets(%dma_start3A_205 : memref<128xi32, #tpu.memory_space<vmem>>) semaphore(%arg9 : memref<!tpu.dma_semaphore, #tpu.memory_space<semaphore_mem>>)
          %mul3A_209 = arith.constant 3 : i32
          %mul3A_210 = arith.muli %add3A_178, %mul3A_209 : i32
          %mul3A_211 = arith.constant 128 : i32
          %mul3A_212 = arith.muli %mul3A_210, %mul3A_211 : i32
          %add3A_213 = arith.constant 256 : i32
          %add3A_214 = arith.addi %mul3A_212, %add3A_213 : i32
          %dma_start3A_215 = arith.constant 1 : i32
          %dma_start3A_216 = arith.constant 256 : i32
          %dma_start3A_217 = arith.constant 0 : i32
          %dma_start3A_218 = tpu.memref_slice %arg6[%dma_start3A_215, %dma_start3A_216, %dma_start3A_217] : memref<2x384x48xi32, #tpu.memory_space<vmem>> -> memref<1x128x48xi32, #tpu.memory_space<vmem>>
          %dma_start3A_219 = tpu.memref_squeeze %dma_start3A_218 : memref<1x128x48xi32, #tpu.memory_space<vmem>> -> memref<128x48xi32, #tpu.memory_space<vmem>>
          %dma_start3A_220 = tpu.memref_slice %arg5[%add3A_214] : memref<37632xi32, #tpu.memory_space<vmem>> -> memref<128xi32, #tpu.memory_space<vmem>>
          %dma_start3A_221 = arith.constant 0 : i32
          %dma_start3A_222 = arith.constant 0 : i32
          %dma_start3A_223 = tpu.memref_slice %arg2[%dma_start3A_221, %dma_start3A_222] : memref<100000x48xi32, #tpu.memory_space<hbm>> -> memref<100000x48xi32, #tpu.memory_space<hbm>>
          tpu.enqueue_indirect_dma source(%dma_start3A_223 : memref<100000x48xi32, #tpu.memory_space<hbm>>) target(%dma_start3A_219 : memref<128x48xi32, #tpu.memory_space<vmem>>) offsets(%dma_start3A_220 : memref<128xi32, #tpu.memory_space<vmem>>) semaphore(%arg9 : memref<!tpu.dma_semaphore, #tpu.memory_space<semaphore_mem>>)
        } else {
        }
        %mul3A_65 = arith.constant 3 : i32
        %mul3A_66 = arith.muli %mul3A_58, %mul3A_65 : i32
        %mul3A_67 = arith.constant 128 : i32
        %mul3A_68 = arith.muli %mul3A_66, %mul3A_67 : i32
        %add3A_69 = arith.constant 0 : i32
        %add3A_70 = arith.addi %mul3A_68, %add3A_69 : i32
        %dma_wait3A = arith.constant 0 : i32
        %dma_wait3A_71 = arith.constant 0 : i32
        %dma_wait3A_72 = arith.constant 0 : i32
        %dma_wait3A_73 = tpu.memref_slice %arg6[%dma_wait3A, %dma_wait3A_71, %dma_wait3A_72] : memref<2x384x48xi32, #tpu.memory_space<vmem>> -> memref<1x128x48xi32, #tpu.memory_space<vmem>>
        %dma_wait3A_74 = tpu.memref_squeeze %dma_wait3A_73 : memref<1x128x48xi32, #tpu.memory_space<vmem>> -> memref<128x48xi32, #tpu.memory_space<vmem>>
        %dma_wait3A_75 = tpu.memref_slice %arg5[%add3A_70] : memref<37632xi32, #tpu.memory_space<vmem>> -> memref<128xi32, #tpu.memory_space<vmem>>
        %dma_wait3A_76 = arith.constant 0 : i32
        %dma_wait3A_77 = arith.constant 0 : i32
        %dma_wait3A_78 = tpu.memref_slice %arg2[%dma_wait3A_76, %dma_wait3A_77] : memref<100000x48xi32, #tpu.memory_space<hbm>> -> memref<100000x48xi32, #tpu.memory_space<hbm>>
        tpu.wait_indirect_dma semaphore(%arg8 : memref<!tpu.dma_semaphore, #tpu.memory_space<semaphore_mem>>) src(%dma_wait3A_78 : memref<100000x48xi32, #tpu.memory_space<hbm>>) dst(%dma_wait3A_74 : memref<128x48xi32, #tpu.memory_space<vmem>>)
        %mul3A_79 = arith.constant 3 : i32
        %mul3A_80 = arith.muli %mul3A_58, %mul3A_79 : i32
        %mul3A_81 = arith.constant 128 : i32
        %mul3A_82 = arith.muli %mul3A_80, %mul3A_81 : i32
        %add3A_83 = arith.constant 128 : i32
        %add3A_84 = arith.addi %mul3A_82, %add3A_83 : i32
        %dma_wait3A_85 = arith.constant 0 : i32
        %dma_wait3A_86 = arith.constant 128 : i32
        %dma_wait3A_87 = arith.constant 0 : i32
        %dma_wait3A_88 = tpu.memref_slice %arg6[%dma_wait3A_85, %dma_wait3A_86, %dma_wait3A_87] : memref<2x384x48xi32, #tpu.memory_space<vmem>> -> memref<1x128x48xi32, #tpu.memory_space<vmem>>
        %dma_wait3A_89 = tpu.memref_squeeze %dma_wait3A_88 : memref<1x128x48xi32, #tpu.memory_space<vmem>> -> memref<128x48xi32, #tpu.memory_space<vmem>>
        %dma_wait3A_90 = tpu.memref_slice %arg5[%add3A_84] : memref<37632xi32, #tpu.memory_space<vmem>> -> memref<128xi32, #tpu.memory_space<vmem>>
        %dma_wait3A_91 = arith.constant 0 : i32
        %dma_wait3A_92 = arith.constant 0 : i32
        %dma_wait3A_93 = tpu.memref_slice %arg2[%dma_wait3A_91, %dma_wait3A_92] : memref<100000x48xi32, #tpu.memory_space<hbm>> -> memref<100000x48xi32, #tpu.memory_space<hbm>>
        tpu.wait_indirect_dma semaphore(%arg8 : memref<!tpu.dma_semaphore, #tpu.memory_space<semaphore_mem>>) src(%dma_wait3A_93 : memref<100000x48xi32, #tpu.memory_space<hbm>>) dst(%dma_wait3A_89 : memref<128x48xi32, #tpu.memory_space<vmem>>)
        %mul3A_94 = arith.constant 3 : i32
        %mul3A_95 = arith.muli %mul3A_58, %mul3A_94 : i32
        %mul3A_96 = arith.constant 128 : i32
        %mul3A_97 = arith.muli %mul3A_95, %mul3A_96 : i32
        %add3A_98 = arith.constant 256 : i32
        %add3A_99 = arith.addi %mul3A_97, %add3A_98 : i32
        %dma_wait3A_100 = arith.constant 0 : i32
        %dma_wait3A_101 = arith.constant 256 : i32
        %dma_wait3A_102 = arith.constant 0 : i32
        %dma_wait3A_103 = tpu.memref_slice %arg6[%dma_wait3A_100, %dma_wait3A_101, %dma_wait3A_102] : memref<2x384x48xi32, #tpu.memory_space<vmem>> -> memref<1x128x48xi32, #tpu.memory_space<vmem>>
        %dma_wait3A_104 = tpu.memref_squeeze %dma_wait3A_103 : memref<1x128x48xi32, #tpu.memory_space<vmem>> -> memref<128x48xi32, #tpu.memory_space<vmem>>
        %dma_wait3A_105 = tpu.memref_slice %arg5[%add3A_99] : memref<37632xi32, #tpu.memory_space<vmem>> -> memref<128xi32, #tpu.memory_space<vmem>>
        %dma_wait3A_106 = arith.constant 0 : i32
        %dma_wait3A_107 = arith.constant 0 : i32
        %dma_wait3A_108 = tpu.memref_slice %arg2[%dma_wait3A_106, %dma_wait3A_107] : memref<100000x48xi32, #tpu.memory_space<hbm>> -> memref<100000x48xi32, #tpu.memory_space<hbm>>
        tpu.wait_indirect_dma semaphore(%arg8 : memref<!tpu.dma_semaphore, #tpu.memory_space<semaphore_mem>>) src(%dma_wait3A_108 : memref<100000x48xi32, #tpu.memory_space<hbm>>) dst(%dma_wait3A_104 : memref<128x48xi32, #tpu.memory_space<vmem>>)
        %scan3A_109 = arith.constant 0 : i32
        %scan3A_110 = arith.constant 128 : i32
        %scan3A_111 = arith.addi %scan3A_109, %scan3A_110 : i32
        %scan3A_112 = arith.constant 1 : i32
        %scan3A_113:6 = scf.for %scan3A_177 = %scan3A_109 to %scan3A_111 step %scan3A_112 iter_args(%scan3A_178 = %scan3A_51, %scan3A_179 = %scan3A_52, %scan3A_180 = %scan3A_53, %scan3A_181 = %scan3A_54, %scan3A_182 = %scan3A_55, %scan3A_183 = %scan3A_56) -> (vector<16xf32>, vector<16xf32>, vector<16xf32>, vector<16xf32>, vector<16xf32>, vector<16xf32>)  : i32 {
          %mul3A_184 = arith.constant 3 : i32
          %mul3A_185 = arith.muli %mul3A_184, %scan3A_177 : i32
          %get3A = arith.constant 0 : i32
          %get3A_186 = arith.index_cast %get3A : i32 to index
          %get3A_187 = arith.index_cast %mul3A_185 : i32 to index
          %get3A_188 = arith.constant 0 : index
          %get3A_189 = tpu.vector_load %arg6[%get3A_186, %get3A_187, %get3A_188] {strides = array<i32>} : memref<2x384x48xi32, #tpu.memory_space<vmem>>, vector<1x1x16xi32>,
          %get3A_190 = vector.shape_cast %get3A_189 : vector<1x1x16xi32> to vector<16xi32>
          %add3A_191 = arith.constant 1 : i32
          %add3A_192 = arith.addi %mul3A_185, %add3A_191 : i32
          %get3A_193 = arith.constant 0 : i32
          %get3A_194 = arith.index_cast %get3A_193 : i32 to index
          %get3A_195 = arith.index_cast %add3A_192 : i32 to index
          %get3A_196 = arith.constant 0 : index
          %get3A_197 = tpu.vector_load %arg6[%get3A_194, %get3A_195, %get3A_196] {strides = array<i32>} : memref<2x384x48xi32, #tpu.memory_space<vmem>>, vector<1x1x16xi32>,
          %get3A_198 = vector.shape_cast %get3A_197 : vector<1x1x16xi32> to vector<16xi32>
          %add3A_199 = arith.constant 2 : i32
          %add3A_200 = arith.addi %mul3A_185, %add3A_199 : i32
          %get3A_201 = arith.constant 0 : i32
          %get3A_202 = arith.index_cast %get3A_201 : i32 to index
          %get3A_203 = arith.index_cast %add3A_200 : i32 to index
          %get3A_204 = arith.constant 0 : index
          %get3A_205 = tpu.vector_load %arg6[%get3A_202, %get3A_203, %get3A_204] {strides = array<i32>} : memref<2x384x48xi32, #tpu.memory_space<vmem>>, vector<1x1x16xi32>,
          %get3A_206 = vector.shape_cast %get3A_205 : vector<1x1x16xi32> to vector<16xi32>
          %shift_left3A = arith.constant 16 : i32
          %shift_left3A_207 = vector.broadcast %shift_left3A : i32 to vector<16xi32>
          %shift_left3A_208 = arith.shli %get3A_190, %shift_left3A_207 : vector<16xi32>
          %bitcast_convert_type3A = tpu.bitcast %shift_left3A_208 : vector<16xi32> -> vector<16xf32>
          %bitcast_convert_type3A_209 = tpu.bitcast %get3A_190 : vector<16xi32> -> vector<16xf32>
          %shift_left3A_210 = arith.constant 16 : i32
          %shift_left3A_211 = vector.broadcast %shift_left3A_210 : i32 to vector<16xi32>
          %shift_left3A_212 = arith.shli %get3A_198, %shift_left3A_211 : vector<16xi32>
          %bitcast_convert_type3A_213 = tpu.bitcast %shift_left3A_212 : vector<16xi32> -> vector<16xf32>
          %bitcast_convert_type3A_214 = tpu.bitcast %get3A_198 : vector<16xi32> -> vector<16xf32>
          %shift_left3A_215 = arith.constant 16 : i32
          %shift_left3A_216 = vector.broadcast %shift_left3A_215 : i32 to vector<16xi32>
          %shift_left3A_217 = arith.shli %get3A_206, %shift_left3A_216 : vector<16xi32>
          %bitcast_convert_type3A_218 = tpu.bitcast %shift_left3A_217 : vector<16xi32> -> vector<16xf32>
          %bitcast_convert_type3A_219 = tpu.bitcast %get3A_206 : vector<16xi32> -> vector<16xf32>
          %max3A = arith.maximumf %bitcast_convert_type3A_213, %bitcast_convert_type3A_218 : vector<16xf32>
          %max3A_220 = arith.maximumf %bitcast_convert_type3A, %max3A : vector<16xf32>
          %min3A = arith.minimumf %bitcast_convert_type3A_213, %bitcast_convert_type3A_218 : vector<16xf32>
          %min3A_221 = arith.minimumf %bitcast_convert_type3A, %min3A : vector<16xf32>
          %sub3A = arith.subf %max3A_220, %min3A_221 : vector<16xf32>
          %add3A_222 = arith.addf %scan3A_178, %sub3A : vector<16xf32>
          %max3A_223 = arith.maximumf %bitcast_convert_type3A_214, %bitcast_convert_type3A_219 : vector<16xf32>
          %max3A_224 = arith.maximumf %bitcast_convert_type3A_209, %max3A_223 : vector<16xf32>
          %min3A_225 = arith.minimumf %bitcast_convert_type3A_214, %bitcast_convert_type3A_219 : vector<16xf32>
          %min3A_226 = arith.minimumf %bitcast_convert_type3A_209, %min3A_225 : vector<16xf32>
          %sub3A_227 = arith.subf %max3A_224, %min3A_226 : vector<16xf32>
          %add3A_228 = arith.addf %scan3A_179, %sub3A_227 : vector<16xf32>
          %get3A_229 = arith.constant 0 : i32
          %get3A_230 = arith.index_cast %get3A_229 : i32 to index
          %get3A_231 = arith.index_cast %mul3A_185 : i32 to index
          %get3A_232 = arith.constant 16 : index
          %get3A_233 = tpu.vector_load %arg6[%get3A_230, %get3A_231, %get3A_232] {strides = array<i32>} : memref<2x384x48xi32, #tpu.memory_space<vmem>>, vector<1x1x16xi32>,
          %get3A_234 = vector.shape_cast %get3A_233 : vector<1x1x16xi32> to vector<16xi32>
          %add3A_235 = arith.constant 1 : i32
          %add3A_236 = arith.addi %mul3A_185, %add3A_235 : i32
          %get3A_237 = arith.constant 0 : i32
          %get3A_238 = arith.index_cast %get3A_237 : i32 to index
          %get3A_239 = arith.index_cast %add3A_236 : i32 to index
          %get3A_240 = arith.constant 16 : index
          %get3A_241 = tpu.vector_load %arg6[%get3A_238, %get3A_239, %get3A_240] {strides = array<i32>} : memref<2x384x48xi32, #tpu.memory_space<vmem>>, vector<1x1x16xi32>,
          %get3A_242 = vector.shape_cast %get3A_241 : vector<1x1x16xi32> to vector<16xi32>
          %add3A_243 = arith.constant 2 : i32
          %add3A_244 = arith.addi %mul3A_185, %add3A_243 : i32
          %get3A_245 = arith.constant 0 : i32
          %get3A_246 = arith.index_cast %get3A_245 : i32 to index
          %get3A_247 = arith.index_cast %add3A_244 : i32 to index
          %get3A_248 = arith.constant 16 : index
          %get3A_249 = tpu.vector_load %arg6[%get3A_246, %get3A_247, %get3A_248] {strides = array<i32>} : memref<2x384x48xi32, #tpu.memory_space<vmem>>, vector<1x1x16xi32>,
          %get3A_250 = vector.shape_cast %get3A_249 : vector<1x1x16xi32> to vector<16xi32>
          %shift_left3A_251 = arith.constant 16 : i32
          %shift_left3A_252 = vector.broadcast %shift_left3A_251 : i32 to vector<16xi32>
          %shift_left3A_253 = arith.shli %get3A_234, %shift_left3A_252 : vector<16xi32>
          %bitcast_convert_type3A_254 = tpu.bitcast %shift_left3A_253 : vector<16xi32> -> vector<16xf32>
          %bitcast_convert_type3A_255 = tpu.bitcast %get3A_234 : vector<16xi32> -> vector<16xf32>
          %shift_left3A_256 = arith.constant 16 : i32
          %shift_left3A_257 = vector.broadcast %shift_left3A_256 : i32 to vector<16xi32>
          %shift_left3A_258 = arith.shli %get3A_242, %shift_left3A_257 : vector<16xi32>
          %bitcast_convert_type3A_259 = tpu.bitcast %shift_left3A_258 : vector<16xi32> -> vector<16xf32>
          %bitcast_convert_type3A_260 = tpu.bitcast %get3A_242 : vector<16xi32> -> vector<16xf32>
          %shift_left3A_261 = arith.constant 16 : i32
          %shift_left3A_262 = vector.broadcast %shift_left3A_261 : i32 to vector<16xi32>
          %shift_left3A_263 = arith.shli %get3A_250, %shift_left3A_262 : vector<16xi32>
          %bitcast_convert_type3A_264 = tpu.bitcast %shift_left3A_263 : vector<16xi32> -> vector<16xf32>
          %bitcast_convert_type3A_265 = tpu.bitcast %get3A_250 : vector<16xi32> -> vector<16xf32>
          %max3A_266 = arith.maximumf %bitcast_convert_type3A_259, %bitcast_convert_type3A_264 : vector<16xf32>
          %max3A_267 = arith.maximumf %bitcast_convert_type3A_254, %max3A_266 : vector<16xf32>
          %min3A_268 = arith.minimumf %bitcast_convert_type3A_259, %bitcast_convert_type3A_264 : vector<16xf32>
          %min3A_269 = arith.minimumf %bitcast_convert_type3A_254, %min3A_268 : vector<16xf32>
          %sub3A_270 = arith.subf %max3A_267, %min3A_269 : vector<16xf32>
          %add3A_271 = arith.addf %scan3A_180, %sub3A_270 : vector<16xf32>
          %max3A_272 = arith.maximumf %bitcast_convert_type3A_260, %bitcast_convert_type3A_265 : vector<16xf32>
          %max3A_273 = arith.maximumf %bitcast_convert_type3A_255, %max3A_272 : vector<16xf32>
          %min3A_274 = arith.minimumf %bitcast_convert_type3A_260, %bitcast_convert_type3A_265 : vector<16xf32>
          %min3A_275 = arith.minimumf %bitcast_convert_type3A_255, %min3A_274 : vector<16xf32>
          %sub3A_276 = arith.subf %max3A_273, %min3A_275 : vector<16xf32>
          %add3A_277 = arith.addf %scan3A_181, %sub3A_276 : vector<16xf32>
          %get3A_278 = arith.constant 0 : i32
          %get3A_279 = arith.index_cast %get3A_278 : i32 to index
          %get3A_280 = arith.index_cast %mul3A_185 : i32 to index
          %get3A_281 = arith.constant 32 : index
          %get3A_282 = tpu.vector_load %arg6[%get3A_279, %get3A_280, %get3A_281] {strides = array<i32>} : memref<2x384x48xi32, #tpu.memory_space<vmem>>, vector<1x1x16xi32>,
          %get3A_283 = vector.shape_cast %get3A_282 : vector<1x1x16xi32> to vector<16xi32>
          %add3A_284 = arith.constant 1 : i32
          %add3A_285 = arith.addi %mul3A_185, %add3A_284 : i32
          %get3A_286 = arith.constant 0 : i32
          %get3A_287 = arith.index_cast %get3A_286 : i32 to index
          %get3A_288 = arith.index_cast %add3A_285 : i32 to index
          %get3A_289 = arith.constant 32 : index
          %get3A_290 = tpu.vector_load %arg6[%get3A_287, %get3A_288, %get3A_289] {strides = array<i32>} : memref<2x384x48xi32, #tpu.memory_space<vmem>>, vector<1x1x16xi32>,
          %get3A_291 = vector.shape_cast %get3A_290 : vector<1x1x16xi32> to vector<16xi32>
          %add3A_292 = arith.constant 2 : i32
          %add3A_293 = arith.addi %mul3A_185, %add3A_292 : i32
          %get3A_294 = arith.constant 0 : i32
          %get3A_295 = arith.index_cast %get3A_294 : i32 to index
          %get3A_296 = arith.index_cast %add3A_293 : i32 to index
          %get3A_297 = arith.constant 32 : index
          %get3A_298 = tpu.vector_load %arg6[%get3A_295, %get3A_296, %get3A_297] {strides = array<i32>} : memref<2x384x48xi32, #tpu.memory_space<vmem>>, vector<1x1x16xi32>,
          %get3A_299 = vector.shape_cast %get3A_298 : vector<1x1x16xi32> to vector<16xi32>
          %shift_left3A_300 = arith.constant 16 : i32
          %shift_left3A_301 = vector.broadcast %shift_left3A_300 : i32 to vector<16xi32>
          %shift_left3A_302 = arith.shli %get3A_283, %shift_left3A_301 : vector<16xi32>
          %bitcast_convert_type3A_303 = tpu.bitcast %shift_left3A_302 : vector<16xi32> -> vector<16xf32>
          %bitcast_convert_type3A_304 = tpu.bitcast %get3A_283 : vector<16xi32> -> vector<16xf32>
          %shift_left3A_305 = arith.constant 16 : i32
          %shift_left3A_306 = vector.broadcast %shift_left3A_305 : i32 to vector<16xi32>
          %shift_left3A_307 = arith.shli %get3A_291, %shift_left3A_306 : vector<16xi32>
          %bitcast_convert_type3A_308 = tpu.bitcast %shift_left3A_307 : vector<16xi32> -> vector<16xf32>
          %bitcast_convert_type3A_309 = tpu.bitcast %get3A_291 : vector<16xi32> -> vector<16xf32>
          %shift_left3A_310 = arith.constant 16 : i32
          %shift_left3A_311 = vector.broadcast %shift_left3A_310 : i32 to vector<16xi32>
          %shift_left3A_312 = arith.shli %get3A_299, %shift_left3A_311 : vector<16xi32>
          %bitcast_convert_type3A_313 = tpu.bitcast %shift_left3A_312 : vector<16xi32> -> vector<16xf32>
          %bitcast_convert_type3A_314 = tpu.bitcast %get3A_299 : vector<16xi32> -> vector<16xf32>
          %max3A_315 = arith.maximumf %bitcast_convert_type3A_308, %bitcast_convert_type3A_313 : vector<16xf32>
          %max3A_316 = arith.maximumf %bitcast_convert_type3A_303, %max3A_315 : vector<16xf32>
          %min3A_317 = arith.minimumf %bitcast_convert_type3A_308, %bitcast_convert_type3A_313 : vector<16xf32>
          %min3A_318 = arith.minimumf %bitcast_convert_type3A_303, %min3A_317 : vector<16xf32>
          %sub3A_319 = arith.subf %max3A_316, %min3A_318 : vector<16xf32>
          %add3A_320 = arith.addf %scan3A_182, %sub3A_319 : vector<16xf32>
          %max3A_321 = arith.maximumf %bitcast_convert_type3A_309, %bitcast_convert_type3A_314 : vector<16xf32>
          %max3A_322 = arith.maximumf %bitcast_convert_type3A_304, %max3A_321 : vector<16xf32>
          %min3A_323 = arith.minimumf %bitcast_convert_type3A_309, %bitcast_convert_type3A_314 : vector<16xf32>
          %min3A_324 = arith.minimumf %bitcast_convert_type3A_304, %min3A_323 : vector<16xf32>
          %sub3A_325 = arith.subf %max3A_322, %min3A_324 : vector<16xf32>
          %add3A_326 = arith.addf %scan3A_183, %sub3A_325 : vector<16xf32>
          scf.yield %add3A_222, %add3A_228, %add3A_271, %add3A_277, %add3A_320, %add3A_326 : vector<16xf32>, vector<16xf32>, vector<16xf32>, vector<16xf32>, vector<16xf32>, vector<16xf32>
        }
        %scan3A_114 = arith.constant 128 : i32
        %mul3A_115 = arith.constant 2 : i32
        %mul3A_116 = arith.muli %mul3A_115, %scan3A_50 : i32
        %add3A_117 = arith.constant 1 : i32
        %add3A_118 = arith.addi %mul3A_116, %add3A_117 : i32
        %add3A_119 = arith.constant 1 : i32
        %add3A_120 = arith.addi %add3A_118, %add3A_119 : i32
        %lt3A_121 = arith.constant 98 : i32
        %lt3A_122 = arith.cmpi slt, %add3A_120, %lt3A_121 : i32
        %convert_element_type3A_123 = arith.extui %lt3A_122 : i1 to i32
        %cond3A_124 = arith.constant 0 : i32
        %cond3A_125 = arith.cmpi ne, %convert_element_type3A_123, %cond3A_124 : i32
        scf.if %cond3A_125 {
          %add3A_177 = arith.constant 1 : i32
          %add3A_178 = arith.addi %add3A_118, %add3A_177 : i32
          %mul3A_179 = arith.constant 3 : i32
          %mul3A_180 = arith.muli %add3A_178, %mul3A_179 : i32
          %mul3A_181 = arith.constant 128 : i32
          %mul3A_182 = arith.muli %mul3A_180, %mul3A_181 : i32
          %add3A_183 = arith.constant 0 : i32
          %add3A_184 = arith.addi %mul3A_182, %add3A_183 : i32
          %dma_start3A_185 = arith.constant 0 : i32
          %dma_start3A_186 = arith.constant 0 : i32
          %dma_start3A_187 = arith.constant 0 : i32
          %dma_start3A_188 = tpu.memref_slice %arg6[%dma_start3A_185, %dma_start3A_186, %dma_start3A_187] : memref<2x384x48xi32, #tpu.memory_space<vmem>> -> memref<1x128x48xi32, #tpu.memory_space<vmem>>
          %dma_start3A_189 = tpu.memref_squeeze %dma_start3A_188 : memref<1x128x48xi32, #tpu.memory_space<vmem>> -> memref<128x48xi32, #tpu.memory_space<vmem>>
          %dma_start3A_190 = tpu.memref_slice %arg5[%add3A_184] : memref<37632xi32, #tpu.memory_space<vmem>> -> memref<128xi32, #tpu.memory_space<vmem>>
          %dma_start3A_191 = arith.constant 0 : i32
          %dma_start3A_192 = arith.constant 0 : i32
          %dma_start3A_193 = tpu.memref_slice %arg2[%dma_start3A_191, %dma_start3A_192] : memref<100000x48xi32, #tpu.memory_space<hbm>> -> memref<100000x48xi32, #tpu.memory_space<hbm>>
          tpu.enqueue_indirect_dma source(%dma_start3A_193 : memref<100000x48xi32, #tpu.memory_space<hbm>>) target(%dma_start3A_189 : memref<128x48xi32, #tpu.memory_space<vmem>>) offsets(%dma_start3A_190 : memref<128xi32, #tpu.memory_space<vmem>>) semaphore(%arg8 : memref<!tpu.dma_semaphore, #tpu.memory_space<semaphore_mem>>)
          %mul3A_194 = arith.constant 3 : i32
          %mul3A_195 = arith.muli %add3A_178, %mul3A_194 : i32
          %mul3A_196 = arith.constant 128 : i32
          %mul3A_197 = arith.muli %mul3A_195, %mul3A_196 : i32
          %add3A_198 = arith.constant 128 : i32
          %add3A_199 = arith.addi %mul3A_197, %add3A_198 : i32
          %dma_start3A_200 = arith.constant 0 : i32
          %dma_start3A_201 = arith.constant 128 : i32
          %dma_start3A_202 = arith.constant 0 : i32
          %dma_start3A_203 = tpu.memref_slice %arg6[%dma_start3A_200, %dma_start3A_201, %dma_start3A_202] : memref<2x384x48xi32, #tpu.memory_space<vmem>> -> memref<1x128x48xi32, #tpu.memory_space<vmem>>
          %dma_start3A_204 = tpu.memref_squeeze %dma_start3A_203 : memref<1x128x48xi32, #tpu.memory_space<vmem>> -> memref<128x48xi32, #tpu.memory_space<vmem>>
          %dma_start3A_205 = tpu.memref_slice %arg5[%add3A_199] : memref<37632xi32, #tpu.memory_space<vmem>> -> memref<128xi32, #tpu.memory_space<vmem>>
          %dma_start3A_206 = arith.constant 0 : i32
          %dma_start3A_207 = arith.constant 0 : i32
          %dma_start3A_208 = tpu.memref_slice %arg2[%dma_start3A_206, %dma_start3A_207] : memref<100000x48xi32, #tpu.memory_space<hbm>> -> memref<100000x48xi32, #tpu.memory_space<hbm>>
          tpu.enqueue_indirect_dma source(%dma_start3A_208 : memref<100000x48xi32, #tpu.memory_space<hbm>>) target(%dma_start3A_204 : memref<128x48xi32, #tpu.memory_space<vmem>>) offsets(%dma_start3A_205 : memref<128xi32, #tpu.memory_space<vmem>>) semaphore(%arg8 : memref<!tpu.dma_semaphore, #tpu.memory_space<semaphore_mem>>)
          %mul3A_209 = arith.constant 3 : i32
          %mul3A_210 = arith.muli %add3A_178, %mul3A_209 : i32
          %mul3A_211 = arith.constant 128 : i32
          %mul3A_212 = arith.muli %mul3A_210, %mul3A_211 : i32
          %add3A_213 = arith.constant 256 : i32
          %add3A_214 = arith.addi %mul3A_212, %add3A_213 : i32
          %dma_start3A_215 = arith.constant 0 : i32
          %dma_start3A_216 = arith.constant 256 : i32
          %dma_start3A_217 = arith.constant 0 : i32
          %dma_start3A_218 = tpu.memref_slice %arg6[%dma_start3A_215, %dma_start3A_216, %dma_start3A_217] : memref<2x384x48xi32, #tpu.memory_space<vmem>> -> memref<1x128x48xi32, #tpu.memory_space<vmem>>
          %dma_start3A_219 = tpu.memref_squeeze %dma_start3A_218 : memref<1x128x48xi32, #tpu.memory_space<vmem>> -> memref<128x48xi32, #tpu.memory_space<vmem>>
          %dma_start3A_220 = tpu.memref_slice %arg5[%add3A_214] : memref<37632xi32, #tpu.memory_space<vmem>> -> memref<128xi32, #tpu.memory_space<vmem>>
          %dma_start3A_221 = arith.constant 0 : i32
          %dma_start3A_222 = arith.constant 0 : i32
          %dma_start3A_223 = tpu.memref_slice %arg2[%dma_start3A_221, %dma_start3A_222] : memref<100000x48xi32, #tpu.memory_space<hbm>> -> memref<100000x48xi32, #tpu.memory_space<hbm>>
          tpu.enqueue_indirect_dma source(%dma_start3A_223 : memref<100000x48xi32, #tpu.memory_space<hbm>>) target(%dma_start3A_219 : memref<128x48xi32, #tpu.memory_space<vmem>>) offsets(%dma_start3A_220 : memref<128xi32, #tpu.memory_space<vmem>>) semaphore(%arg8 : memref<!tpu.dma_semaphore, #tpu.memory_space<semaphore_mem>>)
        } else {
        }
        %mul3A_126 = arith.constant 3 : i32
        %mul3A_127 = arith.muli %add3A_118, %mul3A_126 : i32
        %mul3A_128 = arith.constant 128 : i32
        %mul3A_129 = arith.muli %mul3A_127, %mul3A_128 : i32
        %add3A_130 = arith.constant 0 : i32
        %add3A_131 = arith.addi %mul3A_129, %add3A_130 : i32
        %dma_wait3A_132 = arith.constant 1 : i32
        %dma_wait3A_133 = arith.constant 0 : i32
        %dma_wait3A_134 = arith.constant 0 : i32
        %dma_wait3A_135 = tpu.memref_slice %arg6[%dma_wait3A_132, %dma_wait3A_133, %dma_wait3A_134] : memref<2x384x48xi32, #tpu.memory_space<vmem>> -> memref<1x128x48xi32, #tpu.memory_space<vmem>>
        %dma_wait3A_136 = tpu.memref_squeeze %dma_wait3A_135 : memref<1x128x48xi32, #tpu.memory_space<vmem>> -> memref<128x48xi32, #tpu.memory_space<vmem>>
        %dma_wait3A_137 = tpu.memref_slice %arg5[%add3A_131] : memref<37632xi32, #tpu.memory_space<vmem>> -> memref<128xi32, #tpu.memory_space<vmem>>
        %dma_wait3A_138 = arith.constant 0 : i32
        %dma_wait3A_139 = arith.constant 0 : i32
        %dma_wait3A_140 = tpu.memref_slice %arg2[%dma_wait3A_138, %dma_wait3A_139] : memref<100000x48xi32, #tpu.memory_space<hbm>> -> memref<100000x48xi32, #tpu.memory_space<hbm>>
        tpu.wait_indirect_dma semaphore(%arg9 : memref<!tpu.dma_semaphore, #tpu.memory_space<semaphore_mem>>) src(%dma_wait3A_140 : memref<100000x48xi32, #tpu.memory_space<hbm>>) dst(%dma_wait3A_136 : memref<128x48xi32, #tpu.memory_space<vmem>>)
        %mul3A_141 = arith.constant 3 : i32
        %mul3A_142 = arith.muli %add3A_118, %mul3A_141 : i32
        %mul3A_143 = arith.constant 128 : i32
        %mul3A_144 = arith.muli %mul3A_142, %mul3A_143 : i32
        %add3A_145 = arith.constant 128 : i32
        %add3A_146 = arith.addi %mul3A_144, %add3A_145 : i32
        %dma_wait3A_147 = arith.constant 1 : i32
        %dma_wait3A_148 = arith.constant 128 : i32
        %dma_wait3A_149 = arith.constant 0 : i32
        %dma_wait3A_150 = tpu.memref_slice %arg6[%dma_wait3A_147, %dma_wait3A_148, %dma_wait3A_149] : memref<2x384x48xi32, #tpu.memory_space<vmem>> -> memref<1x128x48xi32, #tpu.memory_space<vmem>>
        %dma_wait3A_151 = tpu.memref_squeeze %dma_wait3A_150 : memref<1x128x48xi32, #tpu.memory_space<vmem>> -> memref<128x48xi32, #tpu.memory_space<vmem>>
        %dma_wait3A_152 = tpu.memref_slice %arg5[%add3A_146] : memref<37632xi32, #tpu.memory_space<vmem>> -> memref<128xi32, #tpu.memory_space<vmem>>
        %dma_wait3A_153 = arith.constant 0 : i32
        %dma_wait3A_154 = arith.constant 0 : i32
        %dma_wait3A_155 = tpu.memref_slice %arg2[%dma_wait3A_153, %dma_wait3A_154] : memref<100000x48xi32, #tpu.memory_space<hbm>> -> memref<100000x48xi32, #tpu.memory_space<hbm>>
        tpu.wait_indirect_dma semaphore(%arg9 : memref<!tpu.dma_semaphore, #tpu.memory_space<semaphore_mem>>) src(%dma_wait3A_155 : memref<100000x48xi32, #tpu.memory_space<hbm>>) dst(%dma_wait3A_151 : memref<128x48xi32, #tpu.memory_space<vmem>>)
        %mul3A_156 = arith.constant 3 : i32
        %mul3A_157 = arith.muli %add3A_118, %mul3A_156 : i32
        %mul3A_158 = arith.constant 128 : i32
        %mul3A_159 = arith.muli %mul3A_157, %mul3A_158 : i32
        %add3A_160 = arith.constant 256 : i32
        %add3A_161 = arith.addi %mul3A_159, %add3A_160 : i32
        %dma_wait3A_162 = arith.constant 1 : i32
        %dma_wait3A_163 = arith.constant 256 : i32
        %dma_wait3A_164 = arith.constant 0 : i32
        %dma_wait3A_165 = tpu.memref_slice %arg6[%dma_wait3A_162, %dma_wait3A_163, %dma_wait3A_164] : memref<2x384x48xi32, #tpu.memory_space<vmem>> -> memref<1x128x48xi32, #tpu.memory_space<vmem>>
        %dma_wait3A_166 = tpu.memref_squeeze %dma_wait3A_165 : memref<1x128x48xi32, #tpu.memory_space<vmem>> -> memref<128x48xi32, #tpu.memory_space<vmem>>
        %dma_wait3A_167 = tpu.memref_slice %arg5[%add3A_161] : memref<37632xi32, #tpu.memory_space<vmem>> -> memref<128xi32, #tpu.memory_space<vmem>>
        %dma_wait3A_168 = arith.constant 0 : i32
        %dma_wait3A_169 = arith.constant 0 : i32
        %dma_wait3A_170 = tpu.memref_slice %arg2[%dma_wait3A_168, %dma_wait3A_169] : memref<100000x48xi32, #tpu.memory_space<hbm>> -> memref<100000x48xi32, #tpu.memory_space<hbm>>
        tpu.wait_indirect_dma semaphore(%arg9 : memref<!tpu.dma_semaphore, #tpu.memory_space<semaphore_mem>>) src(%dma_wait3A_170 : memref<100000x48xi32, #tpu.memory_space<hbm>>) dst(%dma_wait3A_166 : memref<128x48xi32, #tpu.memory_space<vmem>>)
        %scan3A_171 = arith.constant 0 : i32
        %scan3A_172 = arith.constant 128 : i32
        %scan3A_173 = arith.addi %scan3A_171, %scan3A_172 : i32
        %scan3A_174 = arith.constant 1 : i32
        %scan3A_175:6 = scf.for %scan3A_177 = %scan3A_171 to %scan3A_173 step %scan3A_174 iter_args(%scan3A_178 = %scan3A_113#0, %scan3A_179 = %scan3A_113#1, %scan3A_180 = %scan3A_113#2, %scan3A_181 = %scan3A_113#3, %scan3A_182 = %scan3A_113#4, %scan3A_183 = %scan3A_113#5) -> (vector<16xf32>, vector<16xf32>, vector<16xf32>, vector<16xf32>, vector<16xf32>, vector<16xf32>)  : i32 {
          %mul3A_184 = arith.constant 3 : i32
          %mul3A_185 = arith.muli %mul3A_184, %scan3A_177 : i32
          %get3A = arith.constant 1 : i32
          %get3A_186 = arith.index_cast %get3A : i32 to index
          %get3A_187 = arith.index_cast %mul3A_185 : i32 to index
          %get3A_188 = arith.constant 0 : index
          %get3A_189 = tpu.vector_load %arg6[%get3A_186, %get3A_187, %get3A_188] {strides = array<i32>} : memref<2x384x48xi32, #tpu.memory_space<vmem>>, vector<1x1x16xi32>,
          %get3A_190 = vector.shape_cast %get3A_189 : vector<1x1x16xi32> to vector<16xi32>
          %add3A_191 = arith.constant 1 : i32
          %add3A_192 = arith.addi %mul3A_185, %add3A_191 : i32
          %get3A_193 = arith.constant 1 : i32
          %get3A_194 = arith.index_cast %get3A_193 : i32 to index
          %get3A_195 = arith.index_cast %add3A_192 : i32 to index
          %get3A_196 = arith.constant 0 : index
          %get3A_197 = tpu.vector_load %arg6[%get3A_194, %get3A_195, %get3A_196] {strides = array<i32>} : memref<2x384x48xi32, #tpu.memory_space<vmem>>, vector<1x1x16xi32>,
          %get3A_198 = vector.shape_cast %get3A_197 : vector<1x1x16xi32> to vector<16xi32>
          %add3A_199 = arith.constant 2 : i32
          %add3A_200 = arith.addi %mul3A_185, %add3A_199 : i32
          %get3A_201 = arith.constant 1 : i32
          %get3A_202 = arith.index_cast %get3A_201 : i32 to index
          %get3A_203 = arith.index_cast %add3A_200 : i32 to index
          %get3A_204 = arith.constant 0 : index
          %get3A_205 = tpu.vector_load %arg6[%get3A_202, %get3A_203, %get3A_204] {strides = array<i32>} : memref<2x384x48xi32, #tpu.memory_space<vmem>>, vector<1x1x16xi32>,
          %get3A_206 = vector.shape_cast %get3A_205 : vector<1x1x16xi32> to vector<16xi32>
          %shift_left3A = arith.constant 16 : i32
          %shift_left3A_207 = vector.broadcast %shift_left3A : i32 to vector<16xi32>
          %shift_left3A_208 = arith.shli %get3A_190, %shift_left3A_207 : vector<16xi32>
          %bitcast_convert_type3A = tpu.bitcast %shift_left3A_208 : vector<16xi32> -> vector<16xf32>
          %bitcast_convert_type3A_209 = tpu.bitcast %get3A_190 : vector<16xi32> -> vector<16xf32>
          %shift_left3A_210 = arith.constant 16 : i32
          %shift_left3A_211 = vector.broadcast %shift_left3A_210 : i32 to vector<16xi32>
          %shift_left3A_212 = arith.shli %get3A_198, %shift_left3A_211 : vector<16xi32>
          %bitcast_convert_type3A_213 = tpu.bitcast %shift_left3A_212 : vector<16xi32> -> vector<16xf32>
          %bitcast_convert_type3A_214 = tpu.bitcast %get3A_198 : vector<16xi32> -> vector<16xf32>
          %shift_left3A_215 = arith.constant 16 : i32
          %shift_left3A_216 = vector.broadcast %shift_left3A_215 : i32 to vector<16xi32>
          %shift_left3A_217 = arith.shli %get3A_206, %shift_left3A_216 : vector<16xi32>
          %bitcast_convert_type3A_218 = tpu.bitcast %shift_left3A_217 : vector<16xi32> -> vector<16xf32>
          %bitcast_convert_type3A_219 = tpu.bitcast %get3A_206 : vector<16xi32> -> vector<16xf32>
          %max3A = arith.maximumf %bitcast_convert_type3A_213, %bitcast_convert_type3A_218 : vector<16xf32>
          %max3A_220 = arith.maximumf %bitcast_convert_type3A, %max3A : vector<16xf32>
          %min3A = arith.minimumf %bitcast_convert_type3A_213, %bitcast_convert_type3A_218 : vector<16xf32>
          %min3A_221 = arith.minimumf %bitcast_convert_type3A, %min3A : vector<16xf32>
          %sub3A = arith.subf %max3A_220, %min3A_221 : vector<16xf32>
          %add3A_222 = arith.addf %scan3A_178, %sub3A : vector<16xf32>
          %max3A_223 = arith.maximumf %bitcast_convert_type3A_214, %bitcast_convert_type3A_219 : vector<16xf32>
          %max3A_224 = arith.maximumf %bitcast_convert_type3A_209, %max3A_223 : vector<16xf32>
          %min3A_225 = arith.minimumf %bitcast_convert_type3A_214, %bitcast_convert_type3A_219 : vector<16xf32>
          %min3A_226 = arith.minimumf %bitcast_convert_type3A_209, %min3A_225 : vector<16xf32>
          %sub3A_227 = arith.subf %max3A_224, %min3A_226 : vector<16xf32>
          %add3A_228 = arith.addf %scan3A_179, %sub3A_227 : vector<16xf32>
          %get3A_229 = arith.constant 1 : i32
          %get3A_230 = arith.index_cast %get3A_229 : i32 to index
          %get3A_231 = arith.index_cast %mul3A_185 : i32 to index
          %get3A_232 = arith.constant 16 : index
          %get3A_233 = tpu.vector_load %arg6[%get3A_230, %get3A_231, %get3A_232] {strides = array<i32>} : memref<2x384x48xi32, #tpu.memory_space<vmem>>, vector<1x1x16xi32>,
          %get3A_234 = vector.shape_cast %get3A_233 : vector<1x1x16xi32> to vector<16xi32>
          %add3A_235 = arith.constant 1 : i32
          %add3A_236 = arith.addi %mul3A_185, %add3A_235 : i32
          %get3A_237 = arith.constant 1 : i32
          %get3A_238 = arith.index_cast %get3A_237 : i32 to index
          %get3A_239 = arith.index_cast %add3A_236 : i32 to index
          %get3A_240 = arith.constant 16 : index
          %get3A_241 = tpu.vector_load %arg6[%get3A_238, %get3A_239, %get3A_240] {strides = array<i32>} : memref<2x384x48xi32, #tpu.memory_space<vmem>>, vector<1x1x16xi32>,
          %get3A_242 = vector.shape_cast %get3A_241 : vector<1x1x16xi32> to vector<16xi32>
          %add3A_243 = arith.constant 2 : i32
          %add3A_244 = arith.addi %mul3A_185, %add3A_243 : i32
          %get3A_245 = arith.constant 1 : i32
          %get3A_246 = arith.index_cast %get3A_245 : i32 to index
          %get3A_247 = arith.index_cast %add3A_244 : i32 to index
          %get3A_248 = arith.constant 16 : index
          %get3A_249 = tpu.vector_load %arg6[%get3A_246, %get3A_247, %get3A_248] {strides = array<i32>} : memref<2x384x48xi32, #tpu.memory_space<vmem>>, vector<1x1x16xi32>,
          %get3A_250 = vector.shape_cast %get3A_249 : vector<1x1x16xi32> to vector<16xi32>
          %shift_left3A_251 = arith.constant 16 : i32
          %shift_left3A_252 = vector.broadcast %shift_left3A_251 : i32 to vector<16xi32>
          %shift_left3A_253 = arith.shli %get3A_234, %shift_left3A_252 : vector<16xi32>
          %bitcast_convert_type3A_254 = tpu.bitcast %shift_left3A_253 : vector<16xi32> -> vector<16xf32>
          %bitcast_convert_type3A_255 = tpu.bitcast %get3A_234 : vector<16xi32> -> vector<16xf32>
          %shift_left3A_256 = arith.constant 16 : i32
          %shift_left3A_257 = vector.broadcast %shift_left3A_256 : i32 to vector<16xi32>
          %shift_left3A_258 = arith.shli %get3A_242, %shift_left3A_257 : vector<16xi32>
          %bitcast_convert_type3A_259 = tpu.bitcast %shift_left3A_258 : vector<16xi32> -> vector<16xf32>
          %bitcast_convert_type3A_260 = tpu.bitcast %get3A_242 : vector<16xi32> -> vector<16xf32>
          %shift_left3A_261 = arith.constant 16 : i32
          %shift_left3A_262 = vector.broadcast %shift_left3A_261 : i32 to vector<16xi32>
          %shift_left3A_263 = arith.shli %get3A_250, %shift_left3A_262 : vector<16xi32>
          %bitcast_convert_type3A_264 = tpu.bitcast %shift_left3A_263 : vector<16xi32> -> vector<16xf32>
          %bitcast_convert_type3A_265 = tpu.bitcast %get3A_250 : vector<16xi32> -> vector<16xf32>
          %max3A_266 = arith.maximumf %bitcast_convert_type3A_259, %bitcast_convert_type3A_264 : vector<16xf32>
          %max3A_267 = arith.maximumf %bitcast_convert_type3A_254, %max3A_266 : vector<16xf32>
          %min3A_268 = arith.minimumf %bitcast_convert_type3A_259, %bitcast_convert_type3A_264 : vector<16xf32>
          %min3A_269 = arith.minimumf %bitcast_convert_type3A_254, %min3A_268 : vector<16xf32>
          %sub3A_270 = arith.subf %max3A_267, %min3A_269 : vector<16xf32>
          %add3A_271 = arith.addf %scan3A_180, %sub3A_270 : vector<16xf32>
          %max3A_272 = arith.maximumf %bitcast_convert_type3A_260, %bitcast_convert_type3A_265 : vector<16xf32>
          %max3A_273 = arith.maximumf %bitcast_convert_type3A_255, %max3A_272 : vector<16xf32>
          %min3A_274 = arith.minimumf %bitcast_convert_type3A_260, %bitcast_convert_type3A_265 : vector<16xf32>
          %min3A_275 = arith.minimumf %bitcast_convert_type3A_255, %min3A_274 : vector<16xf32>
          %sub3A_276 = arith.subf %max3A_273, %min3A_275 : vector<16xf32>
          %add3A_277 = arith.addf %scan3A_181, %sub3A_276 : vector<16xf32>
          %get3A_278 = arith.constant 1 : i32
          %get3A_279 = arith.index_cast %get3A_278 : i32 to index
          %get3A_280 = arith.index_cast %mul3A_185 : i32 to index
          %get3A_281 = arith.constant 32 : index
          %get3A_282 = tpu.vector_load %arg6[%get3A_279, %get3A_280, %get3A_281] {strides = array<i32>} : memref<2x384x48xi32, #tpu.memory_space<vmem>>, vector<1x1x16xi32>,
          %get3A_283 = vector.shape_cast %get3A_282 : vector<1x1x16xi32> to vector<16xi32>
          %add3A_284 = arith.constant 1 : i32
          %add3A_285 = arith.addi %mul3A_185, %add3A_284 : i32
          %get3A_286 = arith.constant 1 : i32
          %get3A_287 = arith.index_cast %get3A_286 : i32 to index
          %get3A_288 = arith.index_cast %add3A_285 : i32 to index
          %get3A_289 = arith.constant 32 : index
          %get3A_290 = tpu.vector_load %arg6[%get3A_287, %get3A_288, %get3A_289] {strides = array<i32>} : memref<2x384x48xi32, #tpu.memory_space<vmem>>, vector<1x1x16xi32>,
          %get3A_291 = vector.shape_cast %get3A_290 : vector<1x1x16xi32> to vector<16xi32>
          %add3A_292 = arith.constant 2 : i32
          %add3A_293 = arith.addi %mul3A_185, %add3A_292 : i32
          %get3A_294 = arith.constant 1 : i32
          %get3A_295 = arith.index_cast %get3A_294 : i32 to index
          %get3A_296 = arith.index_cast %add3A_293 : i32 to index
          %get3A_297 = arith.constant 32 : index
          %get3A_298 = tpu.vector_load %arg6[%get3A_295, %get3A_296, %get3A_297] {strides = array<i32>} : memref<2x384x48xi32, #tpu.memory_space<vmem>>, vector<1x1x16xi32>,
          %get3A_299 = vector.shape_cast %get3A_298 : vector<1x1x16xi32> to vector<16xi32>
          %shift_left3A_300 = arith.constant 16 : i32
          %shift_left3A_301 = vector.broadcast %shift_left3A_300 : i32 to vector<16xi32>
          %shift_left3A_302 = arith.shli %get3A_283, %shift_left3A_301 : vector<16xi32>
          %bitcast_convert_type3A_303 = tpu.bitcast %shift_left3A_302 : vector<16xi32> -> vector<16xf32>
          %bitcast_convert_type3A_304 = tpu.bitcast %get3A_283 : vector<16xi32> -> vector<16xf32>
          %shift_left3A_305 = arith.constant 16 : i32
          %shift_left3A_306 = vector.broadcast %shift_left3A_305 : i32 to vector<16xi32>
          %shift_left3A_307 = arith.shli %get3A_291, %shift_left3A_306 : vector<16xi32>
          %bitcast_convert_type3A_308 = tpu.bitcast %shift_left3A_307 : vector<16xi32> -> vector<16xf32>
          %bitcast_convert_type3A_309 = tpu.bitcast %get3A_291 : vector<16xi32> -> vector<16xf32>
          %shift_left3A_310 = arith.constant 16 : i32
          %shift_left3A_311 = vector.broadcast %shift_left3A_310 : i32 to vector<16xi32>
          %shift_left3A_312 = arith.shli %get3A_299, %shift_left3A_311 : vector<16xi32>
          %bitcast_convert_type3A_313 = tpu.bitcast %shift_left3A_312 : vector<16xi32> -> vector<16xf32>
          %bitcast_convert_type3A_314 = tpu.bitcast %get3A_299 : vector<16xi32> -> vector<16xf32>
          %max3A_315 = arith.maximumf %bitcast_convert_type3A_308, %bitcast_convert_type3A_313 : vector<16xf32>
          %max3A_316 = arith.maximumf %bitcast_convert_type3A_303, %max3A_315 : vector<16xf32>
          %min3A_317 = arith.minimumf %bitcast_convert_type3A_308, %bitcast_convert_type3A_313 : vector<16xf32>
          %min3A_318 = arith.minimumf %bitcast_convert_type3A_303, %min3A_317 : vector<16xf32>
          %sub3A_319 = arith.subf %max3A_316, %min3A_318 : vector<16xf32>
          %add3A_320 = arith.addf %scan3A_182, %sub3A_319 : vector<16xf32>
          %max3A_321 = arith.maximumf %bitcast_convert_type3A_309, %bitcast_convert_type3A_314 : vector<16xf32>
          %max3A_322 = arith.maximumf %bitcast_convert_type3A_304, %max3A_321 : vector<16xf32>
          %min3A_323 = arith.minimumf %bitcast_convert_type3A_309, %bitcast_convert_type3A_314 : vector<16xf32>
          %min3A_324 = arith.minimumf %bitcast_convert_type3A_304, %min3A_323 : vector<16xf32>
          %sub3A_325 = arith.subf %max3A_322, %min3A_324 : vector<16xf32>
          %add3A_326 = arith.addf %scan3A_183, %sub3A_325 : vector<16xf32>
          scf.yield %add3A_222, %add3A_228, %add3A_271, %add3A_277, %add3A_320, %add3A_326 : vector<16xf32>, vector<16xf32>, vector<16xf32>, vector<16xf32>, vector<16xf32>, vector<16xf32>
        }
        %scan3A_176 = arith.constant 128 : i32
        scf.yield %scan3A_175#0, %scan3A_175#1, %scan3A_175#2, %scan3A_175#3, %scan3A_175#4, %scan3A_175#5 : vector<16xf32>, vector<16xf32>, vector<16xf32>, vector<16xf32>, vector<16xf32>, vector<16xf32>
      }
      %scan3A_41 = arith.constant 49 : i32
      %add3A_42 = arith.addf %scan3A_40#0, %scan3A_40#1 : vector<16xf32>
      %add3A_43 = arith.addf %add3A_42, %scan3A_40#2 : vector<16xf32>
      %add3A_44 = arith.addf %add3A_43, %scan3A_40#3 : vector<16xf32>
      %add3A_45 = arith.addf %add3A_44, %scan3A_40#4 : vector<16xf32>
      %add3A_46 = arith.addf %add3A_45, %scan3A_40#5 : vector<16xf32>
      %swap3A = arith.constant 0 : index
      %swap3A_47 = tpu.vector_load %arg7[%swap3A] {strides = array<i32>} : memref<16xf32, #tpu.memory_space<vmem>>, vector<16xf32>,
      %swap3A_48 = vector.shape_cast %swap3A_47 : vector<16xf32> to vector<16xf32>
      %swap3A_49 = vector.shape_cast %add3A_46 : vector<16xf32> to vector<16xf32>
      tpu.vector_store %arg7[%swap3A], %swap3A_49 {strides = array<i32>} : memref<16xf32, #tpu.memory_space<vmem>>, vector<16xf32>,
      "tpu.region"() ({
        %run_scoped3A = tpu.sem_alloc : memref<!tpu.dma_semaphore, #tpu.memory_space<semaphore_mem>>
        %dma_start3A_50 = arith.constant 0 : i32
        %dma_start3A_51 = tpu.memref_slice %arg4[%add3A, %dma_start3A_50] : memref<32x16xf32, #tpu.memory_space<hbm>> -> memref<1x16xf32, #tpu.memory_space<hbm>>
        %dma_start3A_52 = tpu.memref_squeeze %dma_start3A_51 : memref<1x16xf32, #tpu.memory_space<hbm>> -> memref<16xf32, #tpu.memory_space<hbm>>
        %dma_start3A_53 = arith.constant 0 : i32
        %dma_start3A_54 = tpu.memref_slice %arg4[%add3A, %dma_start3A_53] : memref<32x16xf32, #tpu.memory_space<hbm>> -> memref<1x16xf32, #tpu.memory_space<hbm>>
        %dma_start3A_55 = tpu.memref_squeeze %dma_start3A_54 : memref<1x16xf32, #tpu.memory_space<hbm>> -> memref<16xf32, #tpu.memory_space<hbm>>
        tpu.enqueue_dma source(%arg7 : memref<16xf32, #tpu.memory_space<vmem>>) target(%dma_start3A_55 : memref<16xf32, #tpu.memory_space<hbm>>) target_semaphore(%run_scoped3A : memref<!tpu.dma_semaphore, #tpu.memory_space<semaphore_mem>>)
        %dma_wait3A = arith.constant 0 : i32
        %dma_wait3A_56 = tpu.memref_slice %arg4[%add3A, %dma_wait3A] : memref<32x16xf32, #tpu.memory_space<hbm>> -> memref<1x16xf32, #tpu.memory_space<hbm>>
        %dma_wait3A_57 = tpu.memref_squeeze %dma_wait3A_56 : memref<1x16xf32, #tpu.memory_space<hbm>> -> memref<16xf32, #tpu.memory_space<hbm>>
        %dma_wait3A_58 = arith.constant 0 : i32
        %dma_wait3A_59 = tpu.memref_slice %arg4[%add3A, %dma_wait3A_58] : memref<32x16xf32, #tpu.memory_space<hbm>> -> memref<1x16xf32, #tpu.memory_space<hbm>>
        %dma_wait3A_60 = tpu.memref_squeeze %dma_wait3A_59 : memref<1x16xf32, #tpu.memory_space<hbm>> -> memref<16xf32, #tpu.memory_space<hbm>>
        tpu.wait_dma2 semaphore(%run_scoped3A : memref<!tpu.dma_semaphore, #tpu.memory_space<semaphore_mem>>) src(%arg7 : memref<16xf32, #tpu.memory_space<vmem>>) dst(%dma_wait3A_60 : memref<16xf32, #tpu.memory_space<hbm>>)
        tpu.yield
      }) : () -> ()
    } else {
    }
    %ne3A = arith.constant 0 : i32
    %ne3A_3 = arith.cmpi ne, %arg0, %ne3A : i32
    %convert_element_type3A_4 = arith.extui %ne3A_3 : i1 to i32
    %cond3A_5 = arith.constant 0 : i32
    %cond3A_6 = arith.cmpi ne, %convert_element_type3A_4, %cond3A_5 : i32
    scf.if %cond3A_6 {
      %broadcast_in_dim3A = arith.constant 0.000000e+00 : f32
      %broadcast_in_dim3A_7 = vector.broadcast %broadcast_in_dim3A : f32 to vector<16xf32>
      %swap3A = arith.constant 0 : index
      %swap3A_8 = tpu.vector_load %arg7[%swap3A] {strides = array<i32>} : memref<16xf32, #tpu.memory_space<vmem>>, vector<16xf32>,
      %swap3A_9 = vector.shape_cast %swap3A_8 : vector<16xf32> to vector<16xf32>
      %swap3A_10 = vector.shape_cast %broadcast_in_dim3A_7 : vector<16xf32> to vector<16xf32>
      tpu.vector_store %arg7[%swap3A], %swap3A_10 {strides = array<i32>} : memref<16xf32, #tpu.memory_space<vmem>>, vector<16xf32>,
      "tpu.region"() ({
        %run_scoped3A = tpu.sem_alloc : memref<!tpu.dma_semaphore, #tpu.memory_space<semaphore_mem>>
        %dma_start3A = arith.constant 0 : i32
        %dma_start3A_11 = tpu.memref_slice %arg4[%add3A, %dma_start3A] : memref<32x16xf32, #tpu.memory_space<hbm>> -> memref<1x16xf32, #tpu.memory_space<hbm>>
        %dma_start3A_12 = tpu.memref_squeeze %dma_start3A_11 : memref<1x16xf32, #tpu.memory_space<hbm>> -> memref<16xf32, #tpu.memory_space<hbm>>
        %dma_start3A_13 = arith.constant 0 : i32
        %dma_start3A_14 = tpu.memref_slice %arg4[%add3A, %dma_start3A_13] : memref<32x16xf32, #tpu.memory_space<hbm>> -> memref<1x16xf32, #tpu.memory_space<hbm>>
        %dma_start3A_15 = tpu.memref_squeeze %dma_start3A_14 : memref<1x16xf32, #tpu.memory_space<hbm>> -> memref<16xf32, #tpu.memory_space<hbm>>
        tpu.enqueue_dma source(%arg7 : memref<16xf32, #tpu.memory_space<vmem>>) target(%dma_start3A_15 : memref<16xf32, #tpu.memory_space<hbm>>) target_semaphore(%run_scoped3A : memref<!tpu.dma_semaphore, #tpu.memory_space<semaphore_mem>>)
        %dma_wait3A = arith.constant 0 : i32
        %dma_wait3A_16 = tpu.memref_slice %arg4[%add3A, %dma_wait3A] : memref<32x16xf32, #tpu.memory_space<hbm>> -> memref<1x16xf32, #tpu.memory_space<hbm>>
        %dma_wait3A_17 = tpu.memref_squeeze %dma_wait3A_16 : memref<1x16xf32, #tpu.memory_space<hbm>> -> memref<16xf32, #tpu.memory_space<hbm>>
        %dma_wait3A_18 = arith.constant 0 : i32
        %dma_wait3A_19 = tpu.memref_slice %arg4[%add3A, %dma_wait3A_18] : memref<32x16xf32, #tpu.memory_space<hbm>> -> memref<1x16xf32, #tpu.memory_space<hbm>>
        %dma_wait3A_20 = tpu.memref_squeeze %dma_wait3A_19 : memref<1x16xf32, #tpu.memory_space<hbm>> -> memref<16xf32, #tpu.memory_space<hbm>>
        tpu.wait_dma2 semaphore(%run_scoped3A : memref<!tpu.dma_semaphore, #tpu.memory_space<semaphore_mem>>) src(%arg7 : memref<16xf32, #tpu.memory_space<vmem>>) dst(%dma_wait3A_20 : memref<16xf32, #tpu.memory_space<hbm>>)
        tpu.yield
      }) : () -> ()
    } else {
    }
    return
  }
}

</mosaic_0001>

<sc_bundles>
// kernel: kernel.3.cloned.1.call-start
scs
__scs_entry_jumppad:
0x0: {  	(pc) =	sbr.rel $0x88, $3  }
0x1: {  	(tag) =	ssettag $0x0;
	lr =	simm.s32 $0x1  }
0x2: {  	[smem:$0x3F9F] =	sst lr;
	_ =	strace $0xD0000000  }
0x3: {  	_ = 	snop  }
0x4: {  	_ = 	snop  }
0x5: {  	_ = 	snop  }
0x6: {  	_ = 	snop  }
0x7: {  	_ = 	snop  }
__scs_overlays_trampoline_lowered:
0x8: {  	[smem:$0x3FAE] =	sst s0  }
0x9: {  	[smem:$0x3FAF] =	sst s1  }
0xa: {  	[smem:$0x3FB0] =	sst s2  }
0xb: {  	[smem:$0x3FB1] =	sst s3  }
0xc: {  	[smem:$0x3FB2] =	sst s4  }
0xd: {  	[smem:$0x3FB3] =	sst s5  }
0xe: {  	[smem:$0x3FB4] =	sst s6  }
0xf: {  	[smem:$0x3FB5] =	sst s7  }
0x10: {  	[smem:$0x3FB6] =	sst s8  }
0x11: {  	[smem:$0x3FB7] =	sst s9;
	s0 =	simm.s32 @!p0 $0x0  }
0x12: {  	s1 =	sld [smem:$0x3F9D];
	s0 =	simm.s32 @p0 $0x1  }
0x13: {  	[smem:$0x3FB8] =	sst s0;
	s0 =	simm.s32 @!p1 $0x0  }
0x14: {  	s2 =	sld [smem:$0x3F9C];
	s0 =	simm.s32 @p1 $0x1  }
0x15: {  	[smem:$0x3FB9] =	sst s0;
	s0 =	simm.s32 @!p2 $0x0  }
0x16: {  	s3 =	sld [smem:$0x3FDB];
	s0 =	simm.s32 @p2 $0x1  }
0x17: {  	s4 =	simm.s32 $0x1BF5;
	[smem:$0x3FBB] =	sst s0  }
0x18: {  	s0 =	sld [smem:$0x3F9E];
	_ =	swait.ge [sflag:s4], $0x0  }
0x19: {  	s7 =	sld [smem:$0x3F9F]  }
0x1a: {  	s8 =	sadd.s32 $0xFFFFE003, lr  }
0x1b: {  	s9 =	sadd.s32 $0xFFFFFEF7, lr;
	s5 =	simm.s32 $0xFFFFFFFF;
	p2 =	slt.u32 s8, $0xFFFFF086  }
0x1c: {  	p1 =	slt.u32 s9, $0xF7A;
	s5 =	simm.s32 @!p2 $0x0  }
0x1d: {  	s5 =	simm.s32 @p1 $0x1;
	p0 =	seq.s32 s7, s2  }
0x1e: {  	s7 =	smul.u32 @!p0 $0xF7A, s2;
	p2 =	seq.s32 @!p0 s5, $0x0  }
0x1f: {  	s9 =	smul.u32 $0xF7A, s1;
	s8 =	simm.s32 @!p0 $0x1BF5;
	p2 =	por !p2, p0  }
0x20: {  	[sflag:s8] =	ssyncset.s32 @!p0 $0xFFFFF086;
	s6 =	sadd.s32 @!p0 s3, s7;
	s7 =	simm.s32 @!p0 $0x108  }
0x21: {  	s3 =	sadd.s32 s3, s9;
	s6 =	sadd.s32 @!p0 $0x88, s6;
	s7 =	simm.s32 @p2 $0x1082  }
0x22: {  	[simem:s7], [sflag:s8] =	dma.local @!p0 [hbm:s6], $0xF7A  }
0x23: {  	s9 =	sor.u32 $0xD0000000, s2;
	s6 =	simm.s32 $0x108;
	_ =	swait.ge @!p0 [sflag:s8], $0x0  }
0x24: {  	s3 =	sadd.s32 $0x88, s3;
	s6 =	simm.s32 @!p1 $0x1082;
	[sflag:s4] =	ssyncset.s32 $0xFFFFF086  }
0x25: {  	[simem:s6], [sflag:s4] =	dma.local [hbm:s3], $0xF7A  }
0x26: {  	[smem:$0x3F9F] =	sst s1;
	(tag) =	ssettag s2;
	_ =	strace s9  }
0x27: {  	s1 =	sld [smem:$0x3FAF]  }
0x28: {  	s2 =	sld [smem:$0x3FB0]  }
0x29: {  	s4 =	sld [smem:$0x3FB2]  }
0x2a: {  	p0 =	seq.s32 s5, $0x0;
	s5 =	sld [smem:$0x3FB3]  }
0x2b: {  	s6 =	sld [smem:$0x3FB4]  }
0x2c: {  	s7 =	sld [smem:$0x3FB5]  }
0x2d: {  	s3 =	simm.s32 $0x108;
	s8 =	sld [smem:$0x3FB6]  }
0x2e: {  	s3 =	simm.s32 @!p0 $0x1082;
	s9 =	sld [smem:$0x3FB7]  }
0x2f: {  	lr =	sadd.s32 s0, s3;
	s0 =	sld [smem:$0x3FAE]  }
0x30: {  	s3 =	sld [smem:$0x3FB1]  }
0x31: {  	[smem:$0x3FBA] =	sst s10  }
0x32: {  	s10 =	sld [smem:$0x3FB8];
	_ =	sdelay $0x3  }
0x33: {  	p0 =	seq.s32 s10, $0x1;
	s10 =	sld [smem:$0x3FBA];
	_ =	sdelay $0x3  }
0x34: {  	[smem:$0x3FBA] =	sst s10  }
0x35: {  	s10 =	sld [smem:$0x3FB9];
	_ =	sdelay $0x3  }
0x36: {  	p1 =	seq.s32 s10, $0x1;
	s10 =	sld [smem:$0x3FBA];
	_ =	sdelay $0x3  }
0x37: {  	[smem:$0x3FBA] =	sst s10  }
0x38: {  	s10 =	sld [smem:$0x3FBB]  }
0x39: {  	_ = 	snop;
	(pc) =	sbr.ind lr, $3  }
0x3a: {  	_ = 	snop  }
0x3b: {  	_ = 	snop  }
0x3c: {  	p2 =	seq.s32 s10, $0x1;
	s10 =	sld [smem:$0x3FBA]  }
0x3d: {  	_ =	shalt  }
0x3e: {  	_ =	shalt  }
0x3f: {  	_ =	shalt  }
0x40: {  	_ =	shalt  }
0x41: {  	_ =	shalt  }
0x42: {  	_ =	shalt  }
0x43: {  	_ =	shalt  }
0x44: {  	_ =	shalt  }
0x45: {  	_ =	shalt  }
0x46: {  	_ =	shalt  }
0x47: {  	_ =	shalt  }
0x48: {  	_ =	shalt  }
0x49: {  	_ =	shalt  }
0x4a: {  	_ =	shalt  }
0x4b: {  	_ =	shalt  }
0x4c: {  	_ =	shalt  }
0x4d: {  	_ =	shalt  }
0x4e: {  	_ =	shalt  }
0x4f: {  	_ =	shalt  }
0x50: {  	_ =	shalt  }
0x51: {  	_ =	shalt  }
0x52: {  	_ =	shalt  }
0x53: {  	_ =	shalt  }
0x54: {  	_ =	shalt  }
0x55: {  	_ =	shalt  }
0x56: {  	_ =	shalt  }
0x57: {  	_ =	shalt  }
0x58: {  	_ =	shalt  }
0x59: {  	_ =	shalt  }
0x5a: {  	_ =	shalt  }
0x5b: {  	_ =	shalt  }
0x5c: {  	_ =	shalt  }
0x5d: {  	_ =	shalt  }
0x5e: {  	_ =	shalt  }
0x5f: {  	_ =	shalt  }
0x60: {  	_ =	shalt  }
0x61: {  	_ =	shalt  }
0x62: {  	_ =	shalt  }
0x63: {  	_ =	shalt  }
0x64: {  	_ =	shalt  }
0x65: {  	_ =	shalt  }
0x66: {  	_ =	shalt  }
0x67: {  	_ =	shalt  }
0x68: {  	_ =	shalt  }
0x69: {  	_ =	shalt  }
0x6a: {  	_ =	shalt  }
0x6b: {  	_ =	shalt  }
0x6c: {  	_ =	shalt  }
0x6d: {  	_ =	shalt  }
0x6e: {  	_ =	shalt  }
0x6f: {  	_ =	shalt  }
0x70: {  	_ =	shalt  }
0x71: {  	_ =	shalt  }
0x72: {  	_ =	shalt  }
0x73: {  	_ =	shalt  }
0x74: {  	_ =	shalt  }
0x75: {  	_ =	shalt  }
0x76: {  	_ =	shalt  }
0x77: {  	_ =	shalt  }
0x78: {  	_ =	shalt  }
0x79: {  	_ =	shalt  }
0x7a: {  	_ =	shalt  }
0x7b: {  	_ =	shalt  }
0x7c: {  	_ =	shalt  }
0x7d: {  	_ =	shalt  }
0x7e: {  	_ =	shalt  }
0x7f: {  	_ =	shalt  }
0x80: {  	_ =	shalt  }
0x81: {  	_ =	shalt  }
0x82: {  	_ =	shalt  }
0x83: {  	_ =	shalt  }
0x84: {  	_ =	shalt  }
0x85: {  	_ =	shalt  }
0x86: {  	_ =	shalt  }
0x87: {  	_ =	shalt  }
.Lfunc_end0:
.L_simem_size_0:
called_computation_lowered:
.L_overlay_start_0:
0x88: {  	s2 =	sld [smem:$0x3FD9]  }
0x89: {  	s3 =	sld [smem:$0x3FFE];
	_ =	sdelay $0x1  }
0x8a: {  	s1 =	srdreg.scid  }
0x8b: {  	s0 =	sand.u32 $0x1, s1  }
0x8c: {  	s16 =	sshll.u32 s0, $0xA;
	s2 =	sadd.s32 s3, s2  }
0x8d: {  	s2 =	sadd.s32 s2, s16  }
0x8e: {  	[smem:$0x3FC6] =	sst s2  }
0x8f: {  	_ = 	snop  }
0x90: {  	(tm) =	ssettm $0x1  }
0x91: {  	s17 =	sld [smem:$0x3FFB];
	_ =	sdelay $0x3  }
0x92: {  	_ =	strace s17  }
0x93: {  	s2 =	sld [smem:$0x3FFC];
	_ =	sdelay $0x3  }
0x94: {  	_ =	strace s2  }
0x95: {  	s2 =	sld [smem:$0x3FFD];
	_ =	sdelay $0x3  }
0x96: {  	_ =	strace s2  }
0x97: {  	_ =	strace $0x8FFFFFFF  }
0x98: {  	s18 =	sld [smem:$0x3FDB];
	_ =	sdelay $0x1  }
0x99: {  	s19 =	simm.s32 $_scs_section_size  }
0x9a: {  	s4 =	simm.s32 $_size__tile_overlayer_lowered;
	s5 =	simm.s32 $_tile_overlayer_lowered  }
0x9b: {  	s22 =	simm.s32 $0x1BFF;
	s21 =	sshll.u32 s5, $0x1;
	s2 =	sadd.s32 s19, s18  }
0x9c: {  	s6 =	simm.s32 $0x0;
	s20 =	sshll.u32 s4, $0x1;
	s4 =	sadd.s32 s21, s2  }
0x9d: {  	[timem:s6], [sflag:s22] =	dma.local [hbm:s4], s20  }
0x9e: {  	_ =	swait.ge [sflag:s22], s20  }
0x9f: {  	s3 =	ssub.s32 $0x0, s20;
	[sflag:s22] =	ssyncset.done $0x0  }
0xa0: {  	[sflag:s22] =	ssyncadd.s32 s3;
	_ =	sdelay $0x1  }
0xa1: {  	s23 =	simm.s32 $0x1B8B  }
0xa2: {  	_ =	swait.ge [sflag:s23], $0x1  }
0xa3: {  	[sflag:s23] =	ssyncset.done $0x0  }
0xa4: {  	s25 =	simm.s32 $0x1B8E;
	s24 =	sld [smem:$0x3FFE];
	[sflag:s23] =	ssyncadd.s32 $0xFFFFFFFF  }
0xa5: {  	s26 =	simm.s32 $execute0_lowered;
	[smem:$0x3FD2] =	sst s25  }
0xa6: {  	s4 =	sshll.u32 s26, $0x1;
	_ =	strace $0x80000046;
	[dreg:$0x1] =	wrdreg $0xFFFFFFFF  }
0xa7: {  	s28 =	simm.s32 $_size_execute0_lowered;
	s2 =	sadd.s32 s2, s4;
	[dreg:$0x0] =	wrdreg $0x0  }
0xa8: {  	s4 =	sshll.u32 s28, $0x1;
	[dreg:$0x2] =	wrdreg s2  }
0xa9: {  	[dreg:$0x3] =	wrdreg s4  }
0xaa: {  	[dreg:$0x4] =	wrdreg $0xC0  }
0xab: {  	_ =	task [dreg:s6], $0x5FFFF  }
0xac: {  	[dreg:$0x1] =	wrdreg $0xFFFFFFFF  }
0xad: {  	[dreg:$0x0] =	wrdreg $0x60  }
0xae: {  	[dreg:$0x2] =	wrdreg s24  }
0xaf: {  	[dreg:$0x3] =	wrdreg $0x9  }
0xb0: {  	_ =	task.clear_ibuf [dreg:s6], $0x4FFFF;
	_ =	strace $0x90000046  }
0xb1: {  	s29 =	simm.s32 $0x9;
	_ =	strace $0x80000048  }
0xb2: {  	_ =	swait.ge [sflag:s29], $0x1  }
0xb3: {  	[sflag:s29] =	ssyncadd.s32 $0xFFFFFFFF  }
0xb4: {  	_ =	strace $0x90000048  }
0xb5: {  	_ =	sfence  }
0xb6: {  	s30 =	sld [smem:$0x0];
	_ =	sdelay $0x2  }
0xb7: {  	s31 =	sshll.u32 s1, $0xD;
	s1 =	sshrl.u32 s1, $0x2  }
0xb8: {  	s3 =	sand.u32 $0x4000, s31;
	s1 =	sadd.s32 s1, s30  }
0xb9: {  	s0 =	sor.u32 s3, s0;
	s1 =	sshll.u32 s1, $0x11  }
0xba: {  	s0 =	sor.u32 s1, s0  }
0xbb: {  	s0 =	sadd.s32 $0x8F2B, s0  }
0xbc: {  	[sflag:s0] =	ssyncadd.remote.s32 $0x1  }
0xbd: {  	_ =	sfence.sel $0xFFFF  }
0xbe: {  	[dreg:$0x0] =	wrdreg $0xFFFFFFFF;
	(pc) =	sbr.abs _section_cstart, $3  }
0xbf: {  	[dreg:$0x1] =	wrdreg $0xFFFFFFFF  }
0xc0: {  	_ =	task.clear_ibuf [dreg:s6], $0x2FFFF;
	_ =	strace $0x9FFFFFFF  }
0xc1: {  	(tm) =	ssettm $0x7FFFFFFF  }
tec
execute0_lowered:
.L_overlay_start_1:
0x0: {  	(tag) =	ssettag $0x1  }
0x1: {  	s4 =	rddreg [dreg:$0x0]  }
0x2: {  	s0 =	rddreg [dreg:$0x1]  }
0x3: {  	s2 =	simm.s32 $0x0;
	s3 =	srdreg.scid;
	s1 =	stileid.u32  }
0x4: {  	s10 =	simm.s32 $0x9300;
	s11 =	simm.s32 $0xAB00;
	s12 =	simm.s32 $0x100  }
0x5: {  	s13 =	simm.s32 $0xC300;
	s14 =	simm.s32 $0xDB00;
	s15 =	simm.s32 $0xF300  }
0x6: {  	s16 =	simm.s32 $0x10B00;
	s17 =	simm.s32 $0x1;
	s18 =	simm.s32 $0x2  }
0x7: {  	s19 =	simm.s32 $0x12300;
	s20 =	simm.s32 $0x0;
	[smem:$0x7FF] =	sst s2  }
0x8: {  	s8 =	sand.u32 $0x1, s3;
	s5 =	smul.u32 $0x1260, s1;
	s3 =	sadd.s32 $0x200, s4  }
.Ltmp0:
0x9: {  	s7 =	sshll.u32 s1, $0x2;
	_ =	strace $0x80000047;
	(pc) =	sbr.rel .LBB2_1-.Ltmp0, $4  }
0xa: {  	s6 =	ssub.s32 $0x2, s8;
	s7 =	sadd.s32 s7, s4;
	p0 =	sne.s32 s8, $0x0  }
0xb: {  	s8 =	simm.s32 $0x3;
	s9 =	sshrl.u32 s6, $0x1;
	s5 =	sadd.s32 s5, s4  }
0xc: {  	s4 =	sadd.s32 $0xA5002, s7;
	s9 =	ssub.s32 s6, s9;
	s5 =	sadd.s32 $0x92A00, s5  }
0xd: {  	v0 =	vimm.f32 $0.0e+00;
	s6 =	sadd.s32 $0xA5000, s7;
	s7 =	smax.u32 s9, $0x1;
	s9 =	simm.s32 $0x80  }
.LBB2_9:
0xe: {  	[tilespmem:$0x12300] =	vst v0;
	s21 =	smov.u32 s4  }
.LBB2_10:
0xf: {  	s20 =	sadd.s32 $0x1, s20  }
0x10: {  	p1 =	sne.s32 s20, s7  }
.Ltmp1:
0x11: {  	_ = 	snop;
	(pc) =	sbr.rel @!p1 .LBB2_11-.Ltmp1, $4  }
0x12: {  	[hbm4b:s21+s2] =	stream.linear.scatter [tilespmem:s19], [sflag:$0x3], $0x10, $0x38;
	[tilespmem:$0x12310] =	vst v63  }
0x13: {  	_ =	swait.ge [sflag:s8], $0x10  }
0x14: {  	[sflag:s8] =	ssyncset.done $0x0  }
0x15: {  	[sflag:s8] =	ssyncadd.s32 $0xFFFFFFF0  }
.LBB2_1:
.Ltmp2:
0x16: {  	(pc) =	sbr.rel @p0 .LBB2_9-.Ltmp2, $1  }
0x17: {  	_ =	sdelay $0x3  }
0x18: {  	s21 =	simm.s32 $0x0  }
0x19: {  	[tilespmem:s21], [sflag:$0x3] =	stream.linear.gather [hbm4b:s5+s21], $0x9300, $0x38;
	[tilespmem:$0x12310] =	vst v63  }
0x1a: {  	_ =	swait.ge [sflag:s8], $0x9300  }
0x1b: {  	[sflag:s8] =	ssyncset.done $0x0  }
0x1c: {  	[sflag:s8] =	ssyncadd.s32 $0xFFFF6D00  }
0x1d: {  	[tilespmem:s10], [sflag:$0x1] =	stream.indirect.gather [hbm4b:s3+s9], $0x30, s21, s9, $0xb8;
	[tilespmem:$0x12310] =	vst v63  }
0x1e: {  	_ = 	snop  }
0x1f: {  	[tilespmem:s11], [sflag:$0x1] =	stream.indirect.gather [hbm4b:s3+s9], $0x30, s9, s9, $0xb8;
	[tilespmem:$0x12310] =	vst v63  }
0x20: {  	v4 =	vimm.f32 $0.0e+00;
	v14 =	vimm.f32 $0.0e+00;
	v7 =	vimm.f32 $0.0e+00  }
0x21: {  	v1 =	vimm.f32 $0.0e+00;
	v12 =	vimm.f32 $0.0e+00;
	v2 =	vimm.f32 $0.0e+00;
	[tilespmem:s13], [sflag:$0x1] =	stream.indirect.gather [hbm4b:s3+s9], $0x30, s12, s9, $0xb8;
	[tilespmem:$0x12310] =	vst v63  }
.LBB2_3:
0x22: {  	s22 =	smul.u32 $0xC00, s21;
	_ =	sdelay $0x1  }
0x23: {  	s22 =	sshra.s32 s22, $0x2  }
0x24: {  	s23 =	sadd.s32 $0x180, s22  }
0x25: {  	[tilespmem:s14], [sflag:$0x2] =	stream.indirect.gather [hbm4b:s3+s9], $0x30, s23, s9, $0xb8;
	[tilespmem:$0x12310] =	vst v63  }
0x26: {  	s28 =	sadd.s32 $0x200, s22  }
0x27: {  	[tilespmem:s15], [sflag:$0x2] =	stream.indirect.gather [hbm4b:s3+s9], $0x30, s28, s9, $0xb8;
	[tilespmem:$0x12310] =	vst v63  }
0x28: {  	s29 =	sadd.s32 $0x280, s22  }
0x29: {  	[tilespmem:s16], [sflag:$0x2] =	stream.indirect.gather [hbm4b:s3+s9], $0x30, s29, s9, $0xb8;
	[tilespmem:$0x12310] =	vst v63  }
0x2a: {  	_ =	swait.ge [sflag:s17], $0x1800  }
0x2b: {  	[sflag:s17] =	ssyncset.done $0x0  }
0x2c: {  	[sflag:s17] =	ssyncadd.s32 $0xFFFFE800  }
0x2d: {  	_ =	swait.ge [sflag:s17], $0x1800  }
0x2e: {  	[sflag:s17] =	ssyncset.done $0x0  }
0x2f: {  	[sflag:s17] =	ssyncadd.s32 $0xFFFFE800  }
0x30: {  	_ =	swait.ge [sflag:s17], $0x1800  }
0x31: {  	[sflag:s17] =	ssyncset.done $0x0  }
0x32: {  	s30 =	simm.s32 $0x0;
	[sflag:s17] =	ssyncadd.s32 $0xFFFFE800  }
0x33: {  	v5 =	vld [tilespmem:s30+$0x9320]  }
0x34: {  	v6 =	vld [tilespmem:s30+$0x9310]  }
0x35: {  	v8 =	vld [tilespmem:s30+$0x9300]  }
0x36: {  	v10 =	vld [tilespmem:s30+$0x9380]  }
0x37: {  	v3 =	vld [tilespmem:s30+$0x9330]  }
0x38: {  	v11 =	vld [tilespmem:s30+$0x9370]  }
0x39: {  	v15 =	vld [tilespmem:s30+$0x9350]  }
0x3a: {  	v9 =	vld [tilespmem:s30+$0x9360]  }
0x3b: {  	v13 =	vld [tilespmem:s30+$0x9340];
	_ =	sdelay $0x1  }
0x3c: {  	v20 =	vshll.u32 v8, $0x10;
	v16 =	vshll.u32 v5, $0x10  }
0x3d: {  	v26 =	vshll.u32 v6, $0x10;
	v17 =	vshll.u32 v10, $0x10;
	v18 =	vshll.u32 v3, $0x10  }
0x3e: {  	v22 =	vshll.u32 v11, $0x10;
	v19 =	vmax.f32 v15, v10;
	v21 =	vmax.f32 v3, v9  }
0x3f: {  	s31 =	simm.s32 $0x90;
	v23 =	vshll.u32 v9, $0x10;
	v25 =	vshll.u32 v13, $0x10;
	v24 =	vshll.u32 v15, $0x10  }
0x40: {  	v27 =	vmin.f32 v13, v11;
	v28 =	vmin.f32 v3, v9;
	v3 =	vld [tilespmem:s31+$0x9320];
	v11 =	vmax.f32 v13, v11  }
0x41: {  	v9 =	vld [tilespmem:s31+$0x9310];
	v15 =	vmin.f32 v15, v10;
	v29 =	vmax.f32 v24, v17;
	v17 =	vmin.f32 v24, v17  }
0x42: {  	v13 =	vld [tilespmem:s31+$0x9300];
	v21 =	vmax.f32 v8, v21;
	v27 =	vmin.f32 v6, v27;
	v8 =	vmin.f32 v8, v28  }
0x43: {  	v10 =	vld [tilespmem:s31+$0x9380];
	v28 =	vmax.f32 v5, v19;
	v6 =	vmax.f32 v6, v11;
	v5 =	vmin.f32 v5, v15  }
0x44: {  	v19 =	vld [tilespmem:s31+$0x9330];
	v24 =	vmax.f32 v16, v29;
	v16 =	vmin.f32 v16, v17;
	v29 =	vsub.f32 v21, v8  }
0x45: {  	v15 =	vmax.f32 v18, v23;
	v17 =	vld [tilespmem:s31+$0x9370];
	v28 =	vsub.f32 v28, v5;
	v11 =	vsub.f32 v24, v16  }
0x46: {  	v27 =	vsub.f32 v6, v27;
	v21 =	vmin.f32 v18, v23;
	v23 =	vld [tilespmem:s31+$0x9360];
	v15 =	vmax.f32 v20, v15  }
0x47: {  	v16 =	vld [tilespmem:s31+$0x9350];
	v30 =	vmin.f32 v20, v21;
	v4 =	vadd.f32 v28, v4;
	v8 =	vadd.f32 v11, v14  }
0x48: {  	v21 =	vld [tilespmem:s31+$0x9340];
	v6 =	vshll.u32 v13, $0x10;
	v18 =	vshll.u32 v3, $0x10;
	v5 =	vshll.u32 v9, $0x10  }
0x49: {  	v24 =	vshll.u32 v10, $0x10;
	v11 =	vadd.f32 v27, v7;
	v7 =	vadd.f32 v29, v12  }
0x4a: {  	v27 =	vmax.f32 v25, v22;
	v29 =	vmin.f32 v25, v22;
	v14 =	vshll.u32 v19, $0x10  }
0x4b: {  	v28 =	vmax.f32 v26, v27;
	v27 =	vsub.f32 v15, v30;
	v29 =	vmin.f32 v26, v29  }
0x4c: {  	v12 =	vshll.u32 v17, $0x10;
	v25 =	vmax.f32 v19, v23;
	v20 =	vshll.u32 v23, $0x10  }
0x4d: {  	s23 =	simm.s32 $0x480;
	v22 =	vmax.f32 v16, v10;
	v15 =	vshll.u32 v21, $0x10;
	v26 =	vmin.f32 v21, v17  }
.LBB2_4:
0x4e: {  	s24 =	sshra.s32 s23, $0x2;
	p1 =	sne.s32 s23, $0x11DC0;
	s23 =	sadd.s32 $0x240, s23;
	v19 =	vmin.f32 v19, v23;
	v23 =	vshll.u32 v16, $0x10;
	v28 =	vsub.f32 v28, v29  }
0x4f: {  	v2 =	vadd.f32 v27, v2;
	v29 =	vld [tilespmem:s24+$0x9320];
	v30 =	vmax.f32 v23, v24;
	v23 =	vmin.f32 v23, v24  }
0x50: {  	v25 =	vmax.f32 v13, v25;
	v17 =	vmax.f32 v21, v17;
	v24 =	vld [tilespmem:s24+$0x9310];
	v21 =	vmax.f32 v18, v30  }
0x51: {  	v26 =	vmin.f32 v9, v26;
	v16 =	vmin.f32 v16, v10;
	v1 =	vadd.f32 v28, v1;
	v27 =	vld [tilespmem:s24+$0x9300]  }
0x52: {  	v22 =	vmax.f32 v3, v22;
	v13 =	vmin.f32 v13, v19;
	v18 =	vmin.f32 v18, v23;
	v10 =	vld [tilespmem:s24+$0x9380]  }
0x53: {  	v23 =	vmax.f32 v9, v17;
	v18 =	vsub.f32 v21, v18;
	v21 =	vmin.f32 v3, v16;
	v19 =	vld [tilespmem:s24+$0x9330]  }
0x54: {  	v28 =	vmax.f32 v14, v20;
	v25 =	vsub.f32 v25, v13;
	v26 =	vsub.f32 v23, v26;
	v17 =	vld [tilespmem:s24+$0x9370];
	v3 =	vmovc v29  }
0x55: {  	v14 =	vmin.f32 v14, v20;
	v20 =	vsub.f32 v22, v21;
	v8 =	vadd.f32 v18, v8;
	v16 =	vld [tilespmem:s24+$0x9350];
	v9 =	vmovc v24  }
0x56: {  	v30 =	vmin.f32 v6, v14;
	v18 =	vshll.u32 v3, $0x10;
	v23 =	vld [tilespmem:s24+$0x9360];
	v29 =	vshll.u32 v27, $0x10;
	v13 =	vmovc v27  }
0x57: {  	v11 =	vadd.f32 v26, v11;
	v31 =	vshll.u32 v9, $0x10;
	v21 =	vld [tilespmem:s24+$0x9340];
	v24 =	vshll.u32 v10, $0x10  }
.Ltmp3:
0x58: {  	v7 =	vadd.f32 v25, v7;
	v4 =	vadd.f32 v20, v4;
	v14 =	vshll.u32 v19, $0x10;
	(pc) =	sbr.rel @p1 .LBB2_4-.Ltmp3, $4  }
0x59: {  	v20 =	vmax.f32 v15, v12;
	v15 =	vmin.f32 v15, v12;
	v12 =	vshll.u32 v17, $0x10  }
0x5a: {  	v26 =	vmax.f32 v6, v28;
	v28 =	vmax.f32 v5, v20;
	v6 =	vmovc v29;
	v22 =	vmax.f32 v16, v10  }
0x5b: {  	v27 =	vsub.f32 v26, v30;
	v29 =	vmin.f32 v5, v15;
	v5 =	vmovc v31;
	v25 =	vmax.f32 v19, v23  }
0x5c: {  	v20 =	vshll.u32 v23, $0x10;
	v15 =	vshll.u32 v21, $0x10;
	v26 =	vmin.f32 v21, v17  }
0x5d: {  	p1 =	seq.s32 s21, $0x30  }
0x5e: {  	s23 =	sadd.s32 @!p1 $0x300, s22;
	s24 =	simm.s32 @!p1 $0x80;
	s25 =	simm.s32 @!p1 $0x9300  }
0x5f: {  	[tilespmem:s25], [sflag:$0x1] =	stream.indirect.gather @!p1 [hbm4b:s3+s24], $0x30, s23, s24, $0xb8;
	[tilespmem:$0x12310] =	vst v63  }
0x60: {  	s23 =	sadd.s32 @!p1 $0x380, s22;
	s25 =	simm.s32 @!p1 $0xAB00  }
0x61: {  	[tilespmem:s25], [sflag:$0x1] =	stream.indirect.gather @!p1 [hbm4b:s3+s24], $0x30, s23, s24, $0xb8;
	[tilespmem:$0x12310] =	vst v63  }
0x62: {  	s22 =	sadd.s32 @!p1 $0x400, s22;
	s23 =	simm.s32 @!p1 $0xC300  }
0x63: {  	[tilespmem:s23], [sflag:$0x1] =	stream.indirect.gather @!p1 [hbm4b:s3+s24], $0x30, s22, s24, $0xb8;
	[tilespmem:$0x12310] =	vst v63  }
0x64: {  	_ =	swait.ge [sflag:s18], $0x1800  }
0x65: {  	[sflag:s18] =	ssyncset.done $0x0  }
0x66: {  	[sflag:s18] =	ssyncadd.s32 $0xFFFFE800  }
0x67: {  	_ =	swait.ge [sflag:s18], $0x1800  }
0x68: {  	[sflag:s18] =	ssyncset.done $0x0  }
0x69: {  	[sflag:s18] =	ssyncadd.s32 $0xFFFFE800  }
0x6a: {  	v19 =	vmin.f32 v19, v23;
	v23 =	vshll.u32 v16, $0x10;
	_ =	swait.ge [sflag:s18], $0x1800  }
0x6b: {  	v28 =	vsub.f32 v28, v29;
	v2 =	vadd.f32 v27, v2;
	v17 =	vmax.f32 v21, v17;
	[sflag:s18] =	ssyncset.done $0x0  }
0x6c: {  	s30 =	simm.s32 $0x0;
	v10 =	vmin.f32 v16, v10;
	v22 =	vmax.f32 v3, v22;
	v29 =	vmax.f32 v23, v24;
	[sflag:s18] =	ssyncadd.s32 $0xFFFFE800  }
0x6d: {  	v23 =	vmin.f32 v23, v24;
	v24 =	vmax.f32 v13, v25;
	v25 =	vmin.f32 v9, v26;
	v16 =	vld [tilespmem:s30+$0xDB20]  }
0x6e: {  	v13 =	vmin.f32 v13, v19;
	v21 =	vmax.f32 v18, v29;
	v18 =	vmin.f32 v18, v23;
	v19 =	vld [tilespmem:s30+$0xDB10]  }
0x6f: {  	v9 =	vmax.f32 v9, v17;
	v3 =	vmin.f32 v3, v10;
	v17 =	vsub.f32 v21, v18;
	v18 =	vld [tilespmem:s30+$0xDB00]  }
0x70: {  	v10 =	vmax.f32 v14, v20;
	v14 =	vmin.f32 v14, v20;
	v9 =	vsub.f32 v9, v25;
	v21 =	vld [tilespmem:s30+$0xDB80]  }
0x71: {  	v20 =	vmax.f32 v15, v12;
	v1 =	vadd.f32 v28, v1;
	v8 =	vadd.f32 v17, v8;
	v17 =	vld [tilespmem:s30+$0xDB30]  }
0x72: {  	v12 =	vmin.f32 v15, v12;
	v13 =	vsub.f32 v24, v13;
	v11 =	vadd.f32 v9, v11;
	v9 =	vld [tilespmem:s30+$0xDB70]  }
0x73: {  	v3 =	vsub.f32 v22, v3;
	v14 =	vmin.f32 v6, v14;
	v6 =	vmax.f32 v6, v10;
	v10 =	vld [tilespmem:s30+$0xDB50]  }
0x74: {  	v15 =	vmax.f32 v5, v20;
	v5 =	vmin.f32 v5, v12;
	v6 =	vsub.f32 v6, v14;
	v12 =	vld [tilespmem:s30+$0xDB60]  }
0x75: {  	v5 =	vsub.f32 v15, v5;
	v22 =	vadd.f32 v13, v7;
	v13 =	vld [tilespmem:s30+$0xDB40]  }
0x76: {  	v25 =	vadd.f32 v3, v4;
	v2 =	vadd.f32 v6, v2  }
0x77: {  	v1 =	vadd.f32 v5, v1;
	v26 =	vshll.u32 v18, $0x10;
	v4 =	vshll.u32 v16, $0x10  }
0x78: {  	s31 =	simm.s32 $0x90;
	v29 =	vshll.u32 v19, $0x10;
	v5 =	vshll.u32 v21, $0x10;
	v6 =	vshll.u32 v17, $0x10  }
0x79: {  	v3 =	vld [tilespmem:s31+$0xDB20];
	v27 =	vshll.u32 v9, $0x10;
	v14 =	vmax.f32 v10, v21;
	v15 =	vmax.f32 v17, v12  }
0x7a: {  	v20 =	vshll.u32 v12, $0x10;
	v28 =	vshll.u32 v13, $0x10;
	v7 =	vshll.u32 v10, $0x10  }
0x7b: {  	v23 =	vmin.f32 v13, v9;
	v12 =	vmin.f32 v17, v12;
	v9 =	vmax.f32 v13, v9  }
0x7c: {  	v13 =	vld [tilespmem:s31+$0xDB00];
	v21 =	vmin.f32 v10, v21;
	v17 =	vmax.f32 v7, v5;
	v5 =	vmin.f32 v7, v5  }
0x7d: {  	v10 =	vld [tilespmem:s31+$0xDB80];
	v15 =	vmax.f32 v18, v15;
	v23 =	vmin.f32 v19, v23;
	v12 =	vmin.f32 v18, v12  }
0x7e: {  	v7 =	vld [tilespmem:s31+$0xDB10];
	v9 =	vmax.f32 v19, v9;
	v19 =	vshll.u32 v3, $0x10;
	v31 =	vmin.f32 v28, v27  }
0x7f: {  	v18 =	vld [tilespmem:s31+$0xDB30];
	v17 =	vmax.f32 v4, v17;
	v4 =	vmin.f32 v4, v5;
	v12 =	vsub.f32 v15, v12  }
0x80: {  	v5 =	vmax.f32 v16, v14;
	v14 =	vld [tilespmem:s31+$0xDB70];
	v15 =	vsub.f32 v9, v23;
	v4 =	vsub.f32 v17, v4  }
0x81: {  	v23 =	vld [tilespmem:s31+$0xDB60];
	v17 =	vmin.f32 v16, v21;
	v21 =	vmax.f32 v6, v20;
	v6 =	vmin.f32 v6, v20  }
0x82: {  	v16 =	vld [tilespmem:s31+$0xDB50];
	v17 =	vsub.f32 v5, v17;
	v30 =	vmin.f32 v26, v6;
	v11 =	vadd.f32 v15, v11  }
0x83: {  	v20 =	vld [tilespmem:s31+$0xDB40];
	v5 =	vadd.f32 v12, v22;
	v21 =	vmax.f32 v26, v21;
	v9 =	vadd.f32 v4, v8  }
0x84: {  	v4 =	vshll.u32 v13, $0x10;
	v24 =	vshll.u32 v10, $0x10;
	v8 =	vshll.u32 v7, $0x10  }
0x85: {  	v15 =	vshll.u32 v18, $0x10;
	v6 =	vadd.f32 v17, v25;
	v17 =	vmax.f32 v28, v27  }
0x86: {  	v27 =	vsub.f32 v21, v30;
	v12 =	vshll.u32 v14, $0x10;
	v28 =	vmax.f32 v29, v17  }
0x87: {  	v25 =	vmax.f32 v18, v23;
	v29 =	vmin.f32 v29, v31;
	v21 =	vshll.u32 v23, $0x10  }
0x88: {  	s22 =	simm.s32 $0x480;
	v22 =	vmax.f32 v16, v10;
	v17 =	vshll.u32 v20, $0x10;
	v26 =	vmin.f32 v20, v14  }
.LBB2_6:
0x89: {  	s23 =	sshra.s32 s22, $0x2;
	p1 =	sne.s32 s22, $0x11DC0;
	s22 =	sadd.s32 $0x240, s22;
	v18 =	vmin.f32 v18, v23;
	v23 =	vshll.u32 v16, $0x10;
	v28 =	vsub.f32 v28, v29  }
0x8a: {  	v2 =	vadd.f32 v27, v2;
	v29 =	vld [tilespmem:s23+$0xDB20];
	v30 =	vmax.f32 v23, v24;
	v23 =	vmin.f32 v23, v24  }
0x8b: {  	v25 =	vmax.f32 v13, v25;
	v14 =	vmax.f32 v20, v14;
	v24 =	vld [tilespmem:s23+$0xDB10];
	v20 =	vmax.f32 v19, v30  }
0x8c: {  	v26 =	vmin.f32 v7, v26;
	v16 =	vmin.f32 v16, v10;
	v1 =	vadd.f32 v28, v1;
	v27 =	vld [tilespmem:s23+$0xDB00]  }
0x8d: {  	v22 =	vmax.f32 v3, v22;
	v13 =	vmin.f32 v13, v18;
	v19 =	vmin.f32 v19, v23;
	v10 =	vld [tilespmem:s23+$0xDB80]  }
0x8e: {  	v23 =	vmax.f32 v7, v14;
	v19 =	vsub.f32 v20, v19;
	v20 =	vmin.f32 v3, v16;
	v18 =	vld [tilespmem:s23+$0xDB30]  }
0x8f: {  	v28 =	vmax.f32 v15, v21;
	v25 =	vsub.f32 v25, v13;
	v26 =	vsub.f32 v23, v26;
	v14 =	vld [tilespmem:s23+$0xDB70];
	v3 =	vmovc v29  }
0x90: {  	v15 =	vmin.f32 v15, v21;
	v21 =	vsub.f32 v22, v20;
	v9 =	vadd.f32 v19, v9;
	v16 =	vld [tilespmem:s23+$0xDB50];
	v7 =	vmovc v24  }
0x91: {  	v30 =	vmin.f32 v4, v15;
	v19 =	vshll.u32 v3, $0x10;
	v23 =	vld [tilespmem:s23+$0xDB60];
	v29 =	vshll.u32 v27, $0x10;
	v13 =	vmovc v27  }
0x92: {  	v11 =	vadd.f32 v26, v11;
	v31 =	vshll.u32 v7, $0x10;
	v20 =	vld [tilespmem:s23+$0xDB40];
	v24 =	vshll.u32 v10, $0x10  }
.Ltmp4:
0x93: {  	v5 =	vadd.f32 v25, v5;
	v6 =	vadd.f32 v21, v6;
	v15 =	vshll.u32 v18, $0x10;
	(pc) =	sbr.rel @p1 .LBB2_6-.Ltmp4, $4  }
0x94: {  	v21 =	vmax.f32 v17, v12;
	v17 =	vmin.f32 v17, v12;
	v12 =	vshll.u32 v14, $0x10  }
0x95: {  	v26 =	vmax.f32 v4, v28;
	v28 =	vmax.f32 v8, v21;
	v4 =	vmovc v29;
	v22 =	vmax.f32 v16, v10  }
0x96: {  	v27 =	vsub.f32 v26, v30;
	v29 =	vmin.f32 v8, v17;
	v8 =	vmovc v31;
	v25 =	vmax.f32 v18, v23  }
0x97: {  	v21 =	vshll.u32 v23, $0x10;
	v17 =	vshll.u32 v20, $0x10;
	v26 =	vmin.f32 v20, v14  }
0x98: {  	v30 =	vshll.u32 v16, $0x10  }
0x99: {  	v18 =	vmin.f32 v18, v23;
	v54 =	vsub.f32 v28, v29;
	v2 =	vadd.f32 v27, v2  }
0x9a: {  	v25 =	vmax.f32 v13, v25;
	v14 =	vmax.f32 v20, v14;
	v26 =	vmin.f32 v7, v26  }
0x9b: {  	v10 =	vmin.f32 v16, v10;
	v59 =	vmax.f32 v3, v22;
	v60 =	vmax.f32 v15, v21  }
0x9c: {  	v15 =	vmin.f32 v15, v21;
	v62 =	vmax.f32 v17, v12;
	v12 =	vmin.f32 v17, v12  }
0x9d: {  	v55 =	vmax.f32 v30, v24;
	v56 =	vmin.f32 v30, v24;
	v13 =	vmin.f32 v13, v18  }
0x9e: {  	v7 =	vmax.f32 v7, v14;
	v3 =	vmin.f32 v3, v10;
	v61 =	vmin.f32 v4, v15  }
0x9f: {  	s21 =	sadd.s32 $0x1, s21;
	v63 =	vmax.f32 v8, v62;
	v57 =	vmax.f32 v19, v55;
	v1 =	vadd.f32 v54, v1  }
0xa0: {  	p1 =	sne.s32 s21, $0x31;
	v58 =	vmin.f32 v19, v56;
	v13 =	vsub.f32 v25, v13;
	v7 =	vsub.f32 v7, v26  }
.Ltmp5:
0xa1: {  	v8 =	vmin.f32 v8, v12;
	v3 =	vsub.f32 v59, v3;
	v14 =	vsub.f32 v57, v58;
	(pc) =	sbr.rel @p1 .LBB2_3-.Ltmp5, $4  }
0xa2: {  	v4 =	vmax.f32 v4, v60;
	v8 =	vsub.f32 v63, v8;
	v7 =	vadd.f32 v7, v11  }
0xa3: {  	v14 =	vadd.f32 v14, v9;
	v9 =	vsub.f32 v4, v61  }
0xa4: {  	v12 =	vadd.f32 v13, v5;
	v1 =	vadd.f32 v8, v1  }
0xa5: {  	v4 =	vadd.f32 v3, v6;
	v2 =	vadd.f32 v9, v2  }
0xa6: {  	_ = 	snop  }
0xa7: {  	v2 =	vadd.f32 v12, v2;
	_ =	sdelay $0x1  }
0xa8: {  	v1 =	vadd.f32 v1, v2;
	_ =	sdelay $0x1  }
0xa9: {  	v1 =	vadd.f32 v7, v1;
	_ =	sdelay $0x1  }
.Ltmp6:
0xaa: {  	v1 =	vadd.f32 v14, v1;
	(pc) =	sbr.rel .LBB2_10-.Ltmp6, $3  }
0xab: {  	_ = 	snop  }
0xac: {  	v1 =	vadd.f32 v4, v1;
	_ =	sdelay $0x1  }
0xad: {  	s21 =	smov.u32 s6;
	[tilespmem:$0x12300] =	vst v1  }
.LBB2_11:
0xae: {  	_ =	sfence.sel $0x180000  }
0xaf: {  	[bflag:$0x0] =	sbarrier.arrive $0xFFFF  }
0xb0: {  	p0 =	sne.s32 s1, $0x0;
	_ =	strace $0x90000047  }
0xb1: {  	s0 =	sadd.s32 @!p0 $0x100000, s0;
	[bflag:$0x2] =	sbarrier.arrive $0xFFFF  }
0xb2: {  	[sflag:s0] =	ssyncadd.tile.s32 @!p0 $0x1;
	_ =	shalt  }
.Lfunc_end2:
_tile_overlayer_lowered:
.L_overlay_start_2:
0xb3: {  	(tag) =	ssettag $0x2  }
0xb4: {  	s0 =	rddreg [dreg:$0x0];
	s2 =	stileid.u32  }
0xb5: {  	s1 =	rddreg [dreg:$0x1];
	p0 =	sne.s32 s2, $0x0  }
0xb6: {  	s3 =	rddreg [dreg:$0x2];
	[bflag:$0x3] =	sbarrier.arrive $0xFFFF;
	s2 =	simm.s32 @!p0 $0x1C03  }
0xb7: {  	[timem:s3], [sflag:s2] =	dma.local @!p0 [hbm:s0], s1  }
0xb8: {  	s0 =	simm.s32 @!p0 $0x3  }
0xb9: {  	_ =	swait.ge @!p0 [sflag:s0], s1  }
0xba: {  	s1 =	ssub.s32 @!p0 $0x0, s1;
	[sflag:s0] =	ssyncset.done @!p0 $0x0  }
0xbb: {  	[sflag:s0] =	ssyncadd.s32 @!p0 s1  }
0xbc: {  	[bflag:$0x3] =	sbarrier.arrive $0xFFFF  }
0xbd: {  	_ =	shalt  }

</sc_bundles>
